<compile_context>
chip_gen: v7x
topology: tpu7x:2x2x1
jax: 0.10.2.dev20260603
libtpu: 0.0.44.dev20260713+nightly
codegen_flags: <defaults>
</compile_context>

<pallas_src>
import dataclasses
import functools

import jax
import jax.numpy as jnp
from jax import lax
from jax.experimental import pallas as pl
from jax.experimental.pallas import tpu as pltpu
from jax.experimental.pallas import tpu_sc as plsc

N = 10000
E = 320000
D_IN = 128
D_HID = 128
D_OUT = 64
N_CLASS = 2

NUM_SC = 2
NUM_SUBCORES = 16
NW = NUM_SC * NUM_SUBCORES
LANES = 16

CHUNK = 128
CH = 79
E_PAD = NW * CH * CHUNK
NP = 10240
ROWS_PER_TILE = NP // NUM_SUBCORES


def _leaky_relu(x):
    return jnp.where(x >= 0, x, 0.01 * x)


@functools.lru_cache(maxsize=None)
def _make_sc_aggregate(d):
    mesh = plsc.VectorSubcoreMesh(core_axis_name="c", subcore_axis_name="s")
    nk = d // LANES

    cp = pltpu.CompilerParams()
    if "needs_layout_passes" in pltpu.CompilerParams.__dataclass_fields__:
        cp = dataclasses.replace(cp, needs_layout_passes=False)

    @functools.partial(
        pl.kernel,
        mesh=mesh,
        compiler_params=cp,
        out_type=jax.ShapeDtypeStruct((NUM_SC, NP, d), jnp.float32),
        scratch_types=[
            pltpu.VMEM((CH, CHUNK), jnp.int32),
            pltpu.VMEM((CH, CHUNK), jnp.int32),
            pltpu.VMEM((CH, CHUNK), jnp.float32),
            pltpu.VMEM((CHUNK, d), jnp.float32),
            pltpu.VMEM_SHARED((NP, d), jnp.float32),
            pltpu.SemaphoreType.DMA,
        ],
    )
    def agg(h_hbm, src_hbm, dst_hbm, w_hbm, out_hbm,
            src_v, dst_v, w_v, rows_v, acc_sh, sem):
        c = lax.axis_index("c")
        s = lax.axis_index("s")
        wid = c * NUM_SUBCORES + s

        @pl.loop(0, CHUNK)
        def _(i):
            for k in range(nk):
                rows_v[i, pl.ds(k * LANES, LANES)] = jnp.zeros(
                    (LANES,), jnp.float32)

        base = s * ROWS_PER_TILE
        for r in range(ROWS_PER_TILE // CHUNK):
            pltpu.sync_copy(rows_v, acc_sh.at[pl.ds(base + r * CHUNK,
                                                    CHUNK)])
        plsc.subcore_barrier()

        pltpu.sync_copy(src_hbm.at[wid], src_v)
        pltpu.sync_copy(dst_hbm.at[wid], dst_v)
        pltpu.sync_copy(w_hbm.at[wid], w_v)

        @pl.loop(0, CH)
        def _(j):
            pltpu.async_copy(h_hbm.at[src_v.at[j]], rows_v, sem).wait()

            @pl.loop(0, CHUNK)
            def _(i):
                idx16 = jnp.full((LANES,), i, jnp.int32)
                wsplat = plsc.load_gather(w_v.at[j], [idx16])
                for k in range(nk):
                    sl = pl.ds(k * LANES, LANES)
                    rows_v[i, sl] = rows_v[i, sl] * wsplat

            pltpu.sync_copy(rows_v, acc_sh.at[dst_v.at[j]], add=True)

        plsc.subcore_barrier()

        pltpu.sync_copy(
            acc_sh.at[pl.ds(base, ROWS_PER_TILE)],
            out_hbm.at[c, pl.ds(base, ROWS_PER_TILE)])

    return agg


def _sc_aggregate(h, src3, dst3, w3):
    return _make_sc_aggregate(h.shape[1])(h, src3, dst3, w3)


ROW_BLK = 1000


def _dense1_body(x_ref, g_ref, b_ref, w_ref, bias_ref, o_ref):
    xv = x_ref[...]
    m = jnp.mean(xv, axis=1, keepdims=True)
    v = jnp.mean((xv - m) ** 2, axis=1, keepdims=True)
    xn = (xv - m) * lax.rsqrt(v + 1e-5) * g_ref[...] + b_ref[...]
    o_ref[...] = jnp.dot(xn, w_ref[...],
                         preferred_element_type=jnp.float32, precision=lax.Precision.HIGHEST) + bias_ref[...]


def _dense1(x, ln1_g, ln1_b, fc1_W, fc1_b):
    grid = N // ROW_BLK
    return pl.pallas_call(
        _dense1_body,
        grid=(grid,),
        in_specs=[
            pl.BlockSpec((ROW_BLK, D_IN), lambda i: (i, 0)),
            pl.BlockSpec((1, D_IN), lambda i: (0, 0)),
            pl.BlockSpec((1, D_IN), lambda i: (0, 0)),
            pl.BlockSpec((D_IN, D_HID), lambda i: (0, 0)),
            pl.BlockSpec((1, D_HID), lambda i: (0, 0)),
        ],
        out_specs=pl.BlockSpec((ROW_BLK, D_HID), lambda i: (i, 0)),
        out_shape=jax.ShapeDtypeStruct((N, D_HID), jnp.float32),
    )(x, ln1_g.reshape(1, -1), ln1_b.reshape(1, -1), fc1_W,
      fc1_b.reshape(1, -1))


def _dense2_body(p_ref, h0_ref, wrel_ref, brel_ref, wroot_ref,
                 w2_ref, hp_ref):
    aggr = p_ref[0] + p_ref[1]
    h1 = (jnp.dot(aggr, wrel_ref[...], preferred_element_type=jnp.float32, precision=lax.Precision.HIGHEST)
          + brel_ref[...]
          + jnp.dot(h0_ref[...], wroot_ref[...],
                    preferred_element_type=jnp.float32, precision=lax.Precision.HIGHEST))
    h1 = _leaky_relu(h1)
    hp_ref[...] = jnp.dot(h1, w2_ref[...],
                          preferred_element_type=jnp.float32, precision=lax.Precision.HIGHEST)


def _dense2(p, h0, W_rel1, b_rel1, W_root1, W_rel2, W_root2):
    grid = N // ROW_BLK
    w2 = jnp.concatenate([W_rel2, W_root2], axis=1)
    return pl.pallas_call(
        _dense2_body,
        grid=(grid,),
        in_specs=[
            pl.BlockSpec((2, ROW_BLK, D_HID), lambda i: (0, i, 0)),
            pl.BlockSpec((ROW_BLK, D_HID), lambda i: (i, 0)),
            pl.BlockSpec((D_HID, D_HID), lambda i: (0, 0)),
            pl.BlockSpec((1, D_HID), lambda i: (0, 0)),
            pl.BlockSpec((D_HID, D_HID), lambda i: (0, 0)),
            pl.BlockSpec((D_HID, 2 * D_OUT), lambda i: (0, 0)),
        ],
        out_specs=pl.BlockSpec((ROW_BLK, 2 * D_OUT), lambda i: (i, 0)),
        out_shape=jax.ShapeDtypeStruct((N, 2 * D_OUT), jnp.float32),
    )(p, h0, W_rel1, b_rel1.reshape(1, -1), W_root1, w2)


def _dense3_body(q_ref, hp_ref, brel2_ref, g_ref, b_ref, w_ref,
                 bias_ref, o_ref):
    h2 = (q_ref[0, :, :D_OUT] + q_ref[1, :, :D_OUT] + brel2_ref[...]
          + hp_ref[:, D_OUT:])
    h2 = _leaky_relu(h2)
    m = jnp.mean(h2, axis=1, keepdims=True)
    v = jnp.mean((h2 - m) ** 2, axis=1, keepdims=True)
    xn = (h2 - m) * lax.rsqrt(v + 1e-5) * g_ref[...] + b_ref[...]
    o_ref[...] = jnp.dot(xn, w_ref[...],
                         preferred_element_type=jnp.float32, precision=lax.Precision.HIGHEST) + bias_ref[...]


def _dense3(q, hp, b_rel2, ln2_g, ln2_b, fc2_W, fc2_b):
    grid = N // ROW_BLK
    return pl.pallas_call(
        _dense3_body,
        grid=(grid,),
        in_specs=[
            pl.BlockSpec((2, ROW_BLK, 2 * D_OUT), lambda i: (0, i, 0)),
            pl.BlockSpec((ROW_BLK, 2 * D_OUT), lambda i: (i, 0)),
            pl.BlockSpec((1, D_OUT), lambda i: (0, 0)),
            pl.BlockSpec((1, D_OUT), lambda i: (0, 0)),
            pl.BlockSpec((1, D_OUT), lambda i: (0, 0)),
            pl.BlockSpec((D_OUT, N_CLASS), lambda i: (0, 0)),
            pl.BlockSpec((1, N_CLASS), lambda i: (0, 0)),
        ],
        out_specs=pl.BlockSpec((ROW_BLK, N_CLASS), lambda i: (i, 0)),
        out_shape=jax.ShapeDtypeStruct((N, N_CLASS), jnp.float32),
    )(q, hp, b_rel2.reshape(1, -1), ln2_g.reshape(1, -1),
      ln2_b.reshape(1, -1), fc2_W, fc2_b.reshape(1, -1))


def kernel(x, edge_index, edge_attr, ln1_g, ln1_b, fc1_W, fc1_b,
           W_rel1, b_rel1, W_root1, W_rel2, b_rel2, W_root2,
           ln2_g, ln2_b, fc2_W, fc2_b):
    src = edge_index[0].astype(jnp.int32)
    dst = edge_index[1].astype(jnp.int32)
    w = edge_attr[:, 0]

    pad = E_PAD - E
    src_p = jnp.concatenate([src, jnp.zeros((pad,), jnp.int32)])
    dst_p = jnp.concatenate(
        [dst, N + (jnp.arange(pad, dtype=jnp.int32) % (NP - N))])
    w_p = jnp.concatenate([w, jnp.zeros((pad,), jnp.float32)])
    src3 = src_p.reshape(NW, CH, CHUNK)
    dst3 = dst_p.reshape(NW, CH, CHUNK)
    w3 = w_p.reshape(NW, CH, CHUNK)

    h0 = _dense1(x, ln1_g, ln1_b, fc1_W, fc1_b)
    p1 = _sc_aggregate(h0, src3, dst3, w3)
    hp = _dense2(p1, h0, W_rel1, b_rel1, W_root1, W_rel2, W_root2)
    q2 = _sc_aggregate(hp, src3, dst3, w3)
    out = _dense3(q2, hp, b_rel2, ln2_g, ln2_b, fc2_W, fc2_b)
    return out

# --- scband reference (transcript-rebuilt; emitter-appended) ---
"""Pipeline reference for scband-gnn-60627758350590 (READ-ONLY COPY).

The authoritative reference and input builder live on the scoring server;
editing this copy changes nothing except your own understanding.
"""

import jax, jax.numpy as jnp
import numpy as np

N = 10000
E = 320000
D_IN = 128
D_HID = 128
D_OUT = 64
N_CLASS = 2


def _layer_norm(x, g, b, eps=1e-5):
    m = jnp.mean(x, axis=-1, keepdims=True)
    v = jnp.var(x, axis=-1, keepdims=True)
    return (x - m) / jnp.sqrt(v + eps) * g + b


def _graph_conv(x, edge_index, edge_attr, W_rel, b_rel, W_root):
    # PyG GraphConv: out = lin_rel(aggr_add(edge_weight * x_j)) + lin_root(x)
    src = edge_index[0]
    dst = edge_index[1]
    msg = jnp.take(x, src, axis=0) * edge_attr  # [E, d] * [E, 1]
    aggr = jax.ops.segment_sum(msg, dst, num_segments=x.shape[0])
    return aggr @ W_rel + b_rel + x @ W_root


def setup_inputs(seed: int = 0) -> dict:
    key = jax.random.key(seed)
    ks = jax.random.split(key, 16)

    def xavier(k, shape):
        fan_in, fan_out = shape[0], shape[1]
        limit = float(np.sqrt(6.0 / (fan_in + fan_out)))
        return jax.random.uniform(k, shape, jnp.float32, -limit, limit)

    x = jax.random.normal(ks[0], (N, D_IN), jnp.float32)
    edge_index = jax.random.randint(ks[1], (2, E), 0, N, jnp.int64)
    edge_attr = jax.random.uniform(ks[2], (E, 1), jnp.float32)

    return {
        'x': x,
        'edge_index': edge_index,
        'edge_attr': edge_attr,
        'ln1_g': jnp.ones((D_IN,), jnp.float32),
        'ln1_b': jnp.zeros((D_IN,), jnp.float32),
        'fc1_W': xavier(ks[3], (D_IN, D_HID)),
        'fc1_b': jnp.zeros((D_HID,), jnp.float32),
        'W_rel1': xavier(ks[4], (D_HID, D_HID)),
        'b_rel1': jnp.zeros((D_HID,), jnp.float32),
        'W_root1': xavier(ks[5], (D_HID, D_HID)),
        'W_rel2': xavier(ks[6], (D_HID, D_OUT)),
        'b_rel2': jnp.zeros((D_OUT,), jnp.float32),
        'W_root2': xavier(ks[7], (D_HID, D_OUT)),
        'ln2_g': jnp.ones((D_OUT,), jnp.float32),
        'ln2_b': jnp.zeros((D_OUT,), jnp.float32),
        'fc2_W': xavier(ks[8], (D_OUT, N_CLASS)),
        'fc2_b': jnp.zeros((N_CLASS,), jnp.float32),
    }


def reference(x, edge_index, edge_attr, ln1_g, ln1_b, fc1_W, fc1_b,
              W_rel1, b_rel1, W_root1, W_rel2, b_rel2, W_root2,
              ln2_g, ln2_b, fc2_W, fc2_b):
    h = _layer_norm(x, ln1_g, ln1_b) @ fc1_W + fc1_b
    h = _graph_conv(h, edge_index, edge_attr, W_rel1, b_rel1, W_root1)
    h = jax.nn.leaky_relu(h, negative_slope=0.01)
    h = _graph_conv(h, edge_index, edge_attr, W_rel2, b_rel2, W_root2)
    h = jax.nn.leaky_relu(h, negative_slope=0.01)
    out = _layer_norm(h, ln2_g, ln2_b) @ fc2_W + fc2_b
    return out

if __name__ == "__main__":
    import jax
    _d = setup_inputs()
    print(jax.jit(kernel)(*tuple(_d.values())))

</pallas_src>

<mosaic_0001>
#map = affine_map<(d0, d1) -> (0, 0)>
#map1 = affine_map<(d0, d1) -> (0, 0, 0)>
module attributes {stable_mosaic.version = 14 : i64} {
  func.func @agg(%arg0: i32, %arg1: i32, %arg2: memref<10000x128xf32, #tpu.memory_space<hbm>>, %arg3: memref<32x79x128xi32, #tpu.memory_space<hbm>>, %arg4: memref<32x79x128xi32, #tpu.memory_space<hbm>>, %arg5: memref<32x79x128xf32, #tpu.memory_space<hbm>>, %arg6: memref<2x10240x128xf32, #tpu.memory_space<hbm>>, %arg7: memref<79x128xi32, #tpu.memory_space<vmem>>, %arg8: memref<79x128xi32, #tpu.memory_space<vmem>>, %arg9: memref<79x128xf32, #tpu.memory_space<vmem>>, %arg10: memref<128x128xf32, #tpu.memory_space<vmem>>, %arg11: memref<10240x128xf32, #tpu.memory_space<vmem_shared>>, %arg12: memref<!tpu.dma_semaphore, #tpu.memory_space<semaphore_mem>>) attributes {dimension_semantics = [#tpu.dimension_semantics<core_parallel>, #tpu.dimension_semantics<subcore_parallel>], iteration_bounds = array<i64: 2, 16>, scalar_prefetch = 0 : i64, scratch_operands = 6 : i64, tpu.core_type = #tpu.core_type<sc_vector_subcore>, window_params = [{transform_indices = #map}, {transform_indices = #map1}, {transform_indices = #map1}, {transform_indices = #map1}, {transform_indices = #map1}]} {
    %mul3A = arith.constant 16 : i32
    %mul3A_0 = arith.muli %arg0, %mul3A : i32
    %add3A = arith.addi %mul3A_0, %arg1 : i32
    %scan3A = arith.constant 0 : i32
    %scan3A_1 = arith.constant 128 : i32
    %scan3A_2 = arith.addi %scan3A, %scan3A_1 : i32
    %scan3A_3 = arith.constant 1 : i32
    scf.for %scan3A_23 = %scan3A to %scan3A_2 step %scan3A_3  : i32 {
      %mul3A_24 = arith.constant 1 : i32
      %mul3A_25 = arith.muli %scan3A_23, %mul3A_24 : i32
      %add3A_26 = arith.constant 0 : i32
      %add3A_27 = arith.addi %add3A_26, %mul3A_25 : i32
      %broadcast_in_dim3A = arith.constant 0.000000e+00 : f32
      %broadcast_in_dim3A_28 = vector.broadcast %broadcast_in_dim3A : f32 to vector<16xf32>
      %swap3A = arith.index_cast %add3A_27 : i32 to index
      %swap3A_29 = arith.constant 0 : index
      %swap3A_30 = tpu.vector_load %arg10[%swap3A, %swap3A_29] {strides = array<i32>} : memref<128x128xf32, #tpu.memory_space<vmem>>, vector<16xf32>,
      tpu.vector_store %arg10[%swap3A, %swap3A_29], %broadcast_in_dim3A_28 {strides = array<i32>} : memref<128x128xf32, #tpu.memory_space<vmem>>, vector<16xf32>,
      %broadcast_in_dim3A_31 = arith.constant 0.000000e+00 : f32
      %broadcast_in_dim3A_32 = vector.broadcast %broadcast_in_dim3A_31 : f32 to vector<16xf32>
      %swap3A_33 = arith.index_cast %add3A_27 : i32 to index
      %swap3A_34 = arith.constant 16 : index
      %swap3A_35 = tpu.vector_load %arg10[%swap3A_33, %swap3A_34] {strides = array<i32>} : memref<128x128xf32, #tpu.memory_space<vmem>>, vector<16xf32>,
      tpu.vector_store %arg10[%swap3A_33, %swap3A_34], %broadcast_in_dim3A_32 {strides = array<i32>} : memref<128x128xf32, #tpu.memory_space<vmem>>, vector<16xf32>,
      %broadcast_in_dim3A_36 = arith.constant 0.000000e+00 : f32
      %broadcast_in_dim3A_37 = vector.broadcast %broadcast_in_dim3A_36 : f32 to vector<16xf32>
      %swap3A_38 = arith.index_cast %add3A_27 : i32 to index
      %swap3A_39 = arith.constant 32 : index
      %swap3A_40 = tpu.vector_load %arg10[%swap3A_38, %swap3A_39] {strides = array<i32>} : memref<128x128xf32, #tpu.memory_space<vmem>>, vector<16xf32>,
      tpu.vector_store %arg10[%swap3A_38, %swap3A_39], %broadcast_in_dim3A_37 {strides = array<i32>} : memref<128x128xf32, #tpu.memory_space<vmem>>, vector<16xf32>,
      %broadcast_in_dim3A_41 = arith.constant 0.000000e+00 : f32
      %broadcast_in_dim3A_42 = vector.broadcast %broadcast_in_dim3A_41 : f32 to vector<16xf32>
      %swap3A_43 = arith.index_cast %add3A_27 : i32 to index
      %swap3A_44 = arith.constant 48 : index
      %swap3A_45 = tpu.vector_load %arg10[%swap3A_43, %swap3A_44] {strides = array<i32>} : memref<128x128xf32, #tpu.memory_space<vmem>>, vector<16xf32>,
      tpu.vector_store %arg10[%swap3A_43, %swap3A_44], %broadcast_in_dim3A_42 {strides = array<i32>} : memref<128x128xf32, #tpu.memory_space<vmem>>, vector<16xf32>,
      %broadcast_in_dim3A_46 = arith.constant 0.000000e+00 : f32
      %broadcast_in_dim3A_47 = vector.broadcast %broadcast_in_dim3A_46 : f32 to vector<16xf32>
      %swap3A_48 = arith.index_cast %add3A_27 : i32 to index
      %swap3A_49 = arith.constant 64 : index
      %swap3A_50 = tpu.vector_load %arg10[%swap3A_48, %swap3A_49] {strides = array<i32>} : memref<128x128xf32, #tpu.memory_space<vmem>>, vector<16xf32>,
      tpu.vector_store %arg10[%swap3A_48, %swap3A_49], %broadcast_in_dim3A_47 {strides = array<i32>} : memref<128x128xf32, #tpu.memory_space<vmem>>, vector<16xf32>,
      %broadcast_in_dim3A_51 = arith.constant 0.000000e+00 : f32
      %broadcast_in_dim3A_52 = vector.broadcast %broadcast_in_dim3A_51 : f32 to vector<16xf32>
      %swap3A_53 = arith.index_cast %add3A_27 : i32 to index
      %swap3A_54 = arith.constant 80 : index
      %swap3A_55 = tpu.vector_load %arg10[%swap3A_53, %swap3A_54] {strides = array<i32>} : memref<128x128xf32, #tpu.memory_space<vmem>>, vector<16xf32>,
      tpu.vector_store %arg10[%swap3A_53, %swap3A_54], %broadcast_in_dim3A_52 {strides = array<i32>} : memref<128x128xf32, #tpu.memory_space<vmem>>, vector<16xf32>,
      %broadcast_in_dim3A_56 = arith.constant 0.000000e+00 : f32
      %broadcast_in_dim3A_57 = vector.broadcast %broadcast_in_dim3A_56 : f32 to vector<16xf32>
      %swap3A_58 = arith.index_cast %add3A_27 : i32 to index
      %swap3A_59 = arith.constant 96 : index
      %swap3A_60 = tpu.vector_load %arg10[%swap3A_58, %swap3A_59] {strides = array<i32>} : memref<128x128xf32, #tpu.memory_space<vmem>>, vector<16xf32>,
      tpu.vector_store %arg10[%swap3A_58, %swap3A_59], %broadcast_in_dim3A_57 {strides = array<i32>} : memref<128x128xf32, #tpu.memory_space<vmem>>, vector<16xf32>,
      %broadcast_in_dim3A_61 = arith.constant 0.000000e+00 : f32
      %broadcast_in_dim3A_62 = vector.broadcast %broadcast_in_dim3A_61 : f32 to vector<16xf32>
      %swap3A_63 = arith.index_cast %add3A_27 : i32 to index
      %swap3A_64 = arith.constant 112 : index
      %swap3A_65 = tpu.vector_load %arg10[%swap3A_63, %swap3A_64] {strides = array<i32>} : memref<128x128xf32, #tpu.memory_space<vmem>>, vector<16xf32>,
      tpu.vector_store %arg10[%swap3A_63, %swap3A_64], %broadcast_in_dim3A_62 {strides = array<i32>} : memref<128x128xf32, #tpu.memory_space<vmem>>, vector<16xf32>,
    }
    %scan3A_4 = arith.constant 128 : i32
    %mul3A_5 = arith.constant 640 : i32
    %mul3A_6 = arith.muli %arg1, %mul3A_5 : i32
    %add3A_7 = arith.constant 0 : i32
    %add3A_8 = arith.addi %mul3A_6, %add3A_7 : i32
    "tpu.region"() ({
      %run_scoped3A = tpu.sem_alloc : memref<!tpu.dma_semaphore, #tpu.memory_space<semaphore_mem>>
      %dma_start3A = arith.constant 0 : i32
      %dma_start3A_23 = tpu.memref_slice %arg11[%add3A_8, %dma_start3A] : memref<10240x128xf32, #tpu.memory_space<vmem_shared>> -> memref<128x128xf32, #tpu.memory_space<vmem_shared>>
      %dma_start3A_24 = arith.constant 0 : i32
      %dma_start3A_25 = tpu.memref_slice %arg11[%add3A_8, %dma_start3A_24] : memref<10240x128xf32, #tpu.memory_space<vmem_shared>> -> memref<128x128xf32, #tpu.memory_space<vmem_shared>>
      tpu.enqueue_dma source(%arg10 : memref<128x128xf32, #tpu.memory_space<vmem>>) target(%dma_start3A_25 : memref<128x128xf32, #tpu.memory_space<vmem_shared>>) target_semaphore(%run_scoped3A : memref<!tpu.dma_semaphore, #tpu.memory_space<semaphore_mem>>)
      %dma_wait3A = arith.constant 0 : i32
      %dma_wait3A_26 = tpu.memref_slice %arg11[%add3A_8, %dma_wait3A] : memref<10240x128xf32, #tpu.memory_space<vmem_shared>> -> memref<128x128xf32, #tpu.memory_space<vmem_shared>>
      %dma_wait3A_27 = arith.constant 0 : i32
      %dma_wait3A_28 = tpu.memref_slice %arg11[%add3A_8, %dma_wait3A_27] : memref<10240x128xf32, #tpu.memory_space<vmem_shared>> -> memref<128x128xf32, #tpu.memory_space<vmem_shared>>
      tpu.wait_dma2 semaphore(%run_scoped3A : memref<!tpu.dma_semaphore, #tpu.memory_space<semaphore_mem>>) src(%arg10 : memref<128x128xf32, #tpu.memory_space<vmem>>) dst(%dma_wait3A_28 : memref<128x128xf32, #tpu.memory_space<vmem_shared>>)
      tpu.yield
    }) : () -> ()
    %add3A_9 = arith.constant 128 : i32
    %add3A_10 = arith.addi %mul3A_6, %add3A_9 : i32
    "tpu.region"() ({
      %run_scoped3A = tpu.sem_alloc : memref<!tpu.dma_semaphore, #tpu.memory_space<semaphore_mem>>
      %dma_start3A = arith.constant 0 : i32
      %dma_start3A_23 = tpu.memref_slice %arg11[%add3A_10, %dma_start3A] : memref<10240x128xf32, #tpu.memory_space<vmem_shared>> -> memref<128x128xf32, #tpu.memory_space<vmem_shared>>
      %dma_start3A_24 = arith.constant 0 : i32
      %dma_start3A_25 = tpu.memref_slice %arg11[%add3A_10, %dma_start3A_24] : memref<10240x128xf32, #tpu.memory_space<vmem_shared>> -> memref<128x128xf32, #tpu.memory_space<vmem_shared>>
      tpu.enqueue_dma source(%arg10 : memref<128x128xf32, #tpu.memory_space<vmem>>) target(%dma_start3A_25 : memref<128x128xf32, #tpu.memory_space<vmem_shared>>) target_semaphore(%run_scoped3A : memref<!tpu.dma_semaphore, #tpu.memory_space<semaphore_mem>>)
      %dma_wait3A = arith.constant 0 : i32
      %dma_wait3A_26 = tpu.memref_slice %arg11[%add3A_10, %dma_wait3A] : memref<10240x128xf32, #tpu.memory_space<vmem_shared>> -> memref<128x128xf32, #tpu.memory_space<vmem_shared>>
      %dma_wait3A_27 = arith.constant 0 : i32
      %dma_wait3A_28 = tpu.memref_slice %arg11[%add3A_10, %dma_wait3A_27] : memref<10240x128xf32, #tpu.memory_space<vmem_shared>> -> memref<128x128xf32, #tpu.memory_space<vmem_shared>>
      tpu.wait_dma2 semaphore(%run_scoped3A : memref<!tpu.dma_semaphore, #tpu.memory_space<semaphore_mem>>) src(%arg10 : memref<128x128xf32, #tpu.memory_space<vmem>>) dst(%dma_wait3A_28 : memref<128x128xf32, #tpu.memory_space<vmem_shared>>)
      tpu.yield
    }) : () -> ()
    %add3A_11 = arith.constant 256 : i32
    %add3A_12 = arith.addi %mul3A_6, %add3A_11 : i32
    "tpu.region"() ({
      %run_scoped3A = tpu.sem_alloc : memref<!tpu.dma_semaphore, #tpu.memory_space<semaphore_mem>>
      %dma_start3A = arith.constant 0 : i32
      %dma_start3A_23 = tpu.memref_slice %arg11[%add3A_12, %dma_start3A] : memref<10240x128xf32, #tpu.memory_space<vmem_shared>> -> memref<128x128xf32, #tpu.memory_space<vmem_shared>>
      %dma_start3A_24 = arith.constant 0 : i32
      %dma_start3A_25 = tpu.memref_slice %arg11[%add3A_12, %dma_start3A_24] : memref<10240x128xf32, #tpu.memory_space<vmem_shared>> -> memref<128x128xf32, #tpu.memory_space<vmem_shared>>
      tpu.enqueue_dma source(%arg10 : memref<128x128xf32, #tpu.memory_space<vmem>>) target(%dma_start3A_25 : memref<128x128xf32, #tpu.memory_space<vmem_shared>>) target_semaphore(%run_scoped3A : memref<!tpu.dma_semaphore, #tpu.memory_space<semaphore_mem>>)
      %dma_wait3A = arith.constant 0 : i32
      %dma_wait3A_26 = tpu.memref_slice %arg11[%add3A_12, %dma_wait3A] : memref<10240x128xf32, #tpu.memory_space<vmem_shared>> -> memref<128x128xf32, #tpu.memory_space<vmem_shared>>
      %dma_wait3A_27 = arith.constant 0 : i32
      %dma_wait3A_28 = tpu.memref_slice %arg11[%add3A_12, %dma_wait3A_27] : memref<10240x128xf32, #tpu.memory_space<vmem_shared>> -> memref<128x128xf32, #tpu.memory_space<vmem_shared>>
      tpu.wait_dma2 semaphore(%run_scoped3A : memref<!tpu.dma_semaphore, #tpu.memory_space<semaphore_mem>>) src(%arg10 : memref<128x128xf32, #tpu.memory_space<vmem>>) dst(%dma_wait3A_28 : memref<128x128xf32, #tpu.memory_space<vmem_shared>>)
      tpu.yield
    }) : () -> ()
    %add3A_13 = arith.constant 384 : i32
    %add3A_14 = arith.addi %mul3A_6, %add3A_13 : i32
    "tpu.region"() ({
      %run_scoped3A = tpu.sem_alloc : memref<!tpu.dma_semaphore, #tpu.memory_space<semaphore_mem>>
      %dma_start3A = arith.constant 0 : i32
      %dma_start3A_23 = tpu.memref_slice %arg11[%add3A_14, %dma_start3A] : memref<10240x128xf32, #tpu.memory_space<vmem_shared>> -> memref<128x128xf32, #tpu.memory_space<vmem_shared>>
      %dma_start3A_24 = arith.constant 0 : i32
      %dma_start3A_25 = tpu.memref_slice %arg11[%add3A_14, %dma_start3A_24] : memref<10240x128xf32, #tpu.memory_space<vmem_shared>> -> memref<128x128xf32, #tpu.memory_space<vmem_shared>>
      tpu.enqueue_dma source(%arg10 : memref<128x128xf32, #tpu.memory_space<vmem>>) target(%dma_start3A_25 : memref<128x128xf32, #tpu.memory_space<vmem_shared>>) target_semaphore(%run_scoped3A : memref<!tpu.dma_semaphore, #tpu.memory_space<semaphore_mem>>)
      %dma_wait3A = arith.constant 0 : i32
      %dma_wait3A_26 = tpu.memref_slice %arg11[%add3A_14, %dma_wait3A] : memref<10240x128xf32, #tpu.memory_space<vmem_shared>> -> memref<128x128xf32, #tpu.memory_space<vmem_shared>>
      %dma_wait3A_27 = arith.constant 0 : i32
      %dma_wait3A_28 = tpu.memref_slice %arg11[%add3A_14, %dma_wait3A_27] : memref<10240x128xf32, #tpu.memory_space<vmem_shared>> -> memref<128x128xf32, #tpu.memory_space<vmem_shared>>
      tpu.wait_dma2 semaphore(%run_scoped3A : memref<!tpu.dma_semaphore, #tpu.memory_space<semaphore_mem>>) src(%arg10 : memref<128x128xf32, #tpu.memory_space<vmem>>) dst(%dma_wait3A_28 : memref<128x128xf32, #tpu.memory_space<vmem_shared>>)
      tpu.yield
    }) : () -> ()
    %add3A_15 = arith.constant 512 : i32
    %add3A_16 = arith.addi %mul3A_6, %add3A_15 : i32
    "tpu.region"() ({
      %run_scoped3A = tpu.sem_alloc : memref<!tpu.dma_semaphore, #tpu.memory_space<semaphore_mem>>
      %dma_start3A = arith.constant 0 : i32
      %dma_start3A_23 = tpu.memref_slice %arg11[%add3A_16, %dma_start3A] : memref<10240x128xf32, #tpu.memory_space<vmem_shared>> -> memref<128x128xf32, #tpu.memory_space<vmem_shared>>
      %dma_start3A_24 = arith.constant 0 : i32
      %dma_start3A_25 = tpu.memref_slice %arg11[%add3A_16, %dma_start3A_24] : memref<10240x128xf32, #tpu.memory_space<vmem_shared>> -> memref<128x128xf32, #tpu.memory_space<vmem_shared>>
      tpu.enqueue_dma source(%arg10 : memref<128x128xf32, #tpu.memory_space<vmem>>) target(%dma_start3A_25 : memref<128x128xf32, #tpu.memory_space<vmem_shared>>) target_semaphore(%run_scoped3A : memref<!tpu.dma_semaphore, #tpu.memory_space<semaphore_mem>>)
      %dma_wait3A = arith.constant 0 : i32
      %dma_wait3A_26 = tpu.memref_slice %arg11[%add3A_16, %dma_wait3A] : memref<10240x128xf32, #tpu.memory_space<vmem_shared>> -> memref<128x128xf32, #tpu.memory_space<vmem_shared>>
      %dma_wait3A_27 = arith.constant 0 : i32
      %dma_wait3A_28 = tpu.memref_slice %arg11[%add3A_16, %dma_wait3A_27] : memref<10240x128xf32, #tpu.memory_space<vmem_shared>> -> memref<128x128xf32, #tpu.memory_space<vmem_shared>>
      tpu.wait_dma2 semaphore(%run_scoped3A : memref<!tpu.dma_semaphore, #tpu.memory_space<semaphore_mem>>) src(%arg10 : memref<128x128xf32, #tpu.memory_space<vmem>>) dst(%dma_wait3A_28 : memref<128x128xf32, #tpu.memory_space<vmem_shared>>)
      tpu.yield
    }) : () -> ()
    %barrier3A = arith.constant 0 : index
    tpu.barrier barrier_id(%barrier3A)
    "tpu.region"() ({
      %run_scoped3A = tpu.sem_alloc : memref<!tpu.dma_semaphore, #tpu.memory_space<semaphore_mem>>
      %dma_start3A = arith.constant 0 : i32
      %dma_start3A_23 = arith.constant 0 : i32
      %dma_start3A_24 = tpu.memref_slice %arg3[%add3A, %dma_start3A, %dma_start3A_23] : memref<32x79x128xi32, #tpu.memory_space<hbm>> -> memref<1x79x128xi32, #tpu.memory_space<hbm>>
      %dma_start3A_25 = tpu.memref_squeeze %dma_start3A_24 : memref<1x79x128xi32, #tpu.memory_space<hbm>> -> memref<79x128xi32, #tpu.memory_space<hbm>>
      %dma_start3A_26 = arith.constant 0 : i32
      %dma_start3A_27 = arith.constant 0 : i32
      %dma_start3A_28 = tpu.memref_slice %arg3[%add3A, %dma_start3A_26, %dma_start3A_27] : memref<32x79x128xi32, #tpu.memory_space<hbm>> -> memref<1x79x128xi32, #tpu.memory_space<hbm>>
      %dma_start3A_29 = tpu.memref_squeeze %dma_start3A_28 : memref<1x79x128xi32, #tpu.memory_space<hbm>> -> memref<79x128xi32, #tpu.memory_space<hbm>>
      tpu.enqueue_dma source(%dma_start3A_29 : memref<79x128xi32, #tpu.memory_space<hbm>>) target(%arg7 : memref<79x128xi32, #tpu.memory_space<vmem>>) target_semaphore(%run_scoped3A : memref<!tpu.dma_semaphore, #tpu.memory_space<semaphore_mem>>)
      %dma_wait3A = arith.constant 0 : i32
      %dma_wait3A_30 = arith.constant 0 : i32
      %dma_wait3A_31 = tpu.memref_slice %arg3[%add3A, %dma_wait3A, %dma_wait3A_30] : memref<32x79x128xi32, #tpu.memory_space<hbm>> -> memref<1x79x128xi32, #tpu.memory_space<hbm>>
      %dma_wait3A_32 = tpu.memref_squeeze %dma_wait3A_31 : memref<1x79x128xi32, #tpu.memory_space<hbm>> -> memref<79x128xi32, #tpu.memory_space<hbm>>
      %dma_wait3A_33 = arith.constant 0 : i32
      %dma_wait3A_34 = arith.constant 0 : i32
      %dma_wait3A_35 = tpu.memref_slice %arg3[%add3A, %dma_wait3A_33, %dma_wait3A_34] : memref<32x79x128xi32, #tpu.memory_space<hbm>> -> memref<1x79x128xi32, #tpu.memory_space<hbm>>
      %dma_wait3A_36 = tpu.memref_squeeze %dma_wait3A_35 : memref<1x79x128xi32, #tpu.memory_space<hbm>> -> memref<79x128xi32, #tpu.memory_space<hbm>>
      tpu.wait_dma2 semaphore(%run_scoped3A : memref<!tpu.dma_semaphore, #tpu.memory_space<semaphore_mem>>) src(%dma_wait3A_36 : memref<79x128xi32, #tpu.memory_space<hbm>>) dst(%arg7 : memref<79x128xi32, #tpu.memory_space<vmem>>)
      tpu.yield
    }) : () -> ()
    "tpu.region"() ({
      %run_scoped3A = tpu.sem_alloc : memref<!tpu.dma_semaphore, #tpu.memory_space<semaphore_mem>>
      %dma_start3A = arith.constant 0 : i32
      %dma_start3A_23 = arith.constant 0 : i32
      %dma_start3A_24 = tpu.memref_slice %arg4[%add3A, %dma_start3A, %dma_start3A_23] : memref<32x79x128xi32, #tpu.memory_space<hbm>> -> memref<1x79x128xi32, #tpu.memory_space<hbm>>
      %dma_start3A_25 = tpu.memref_squeeze %dma_start3A_24 : memref<1x79x128xi32, #tpu.memory_space<hbm>> -> memref<79x128xi32, #tpu.memory_space<hbm>>
      %dma_start3A_26 = arith.constant 0 : i32
      %dma_start3A_27 = arith.constant 0 : i32
      %dma_start3A_28 = tpu.memref_slice %arg4[%add3A, %dma_start3A_26, %dma_start3A_27] : memref<32x79x128xi32, #tpu.memory_space<hbm>> -> memref<1x79x128xi32, #tpu.memory_space<hbm>>
      %dma_start3A_29 = tpu.memref_squeeze %dma_start3A_28 : memref<1x79x128xi32, #tpu.memory_space<hbm>> -> memref<79x128xi32, #tpu.memory_space<hbm>>
      tpu.enqueue_dma source(%dma_start3A_29 : memref<79x128xi32, #tpu.memory_space<hbm>>) target(%arg8 : memref<79x128xi32, #tpu.memory_space<vmem>>) target_semaphore(%run_scoped3A : memref<!tpu.dma_semaphore, #tpu.memory_space<semaphore_mem>>)
      %dma_wait3A = arith.constant 0 : i32
      %dma_wait3A_30 = arith.constant 0 : i32
      %dma_wait3A_31 = tpu.memref_slice %arg4[%add3A, %dma_wait3A, %dma_wait3A_30] : memref<32x79x128xi32, #tpu.memory_space<hbm>> -> memref<1x79x128xi32, #tpu.memory_space<hbm>>
      %dma_wait3A_32 = tpu.memref_squeeze %dma_wait3A_31 : memref<1x79x128xi32, #tpu.memory_space<hbm>> -> memref<79x128xi32, #tpu.memory_space<hbm>>
      %dma_wait3A_33 = arith.constant 0 : i32
      %dma_wait3A_34 = arith.constant 0 : i32
      %dma_wait3A_35 = tpu.memref_slice %arg4[%add3A, %dma_wait3A_33, %dma_wait3A_34] : memref<32x79x128xi32, #tpu.memory_space<hbm>> -> memref<1x79x128xi32, #tpu.memory_space<hbm>>
      %dma_wait3A_36 = tpu.memref_squeeze %dma_wait3A_35 : memref<1x79x128xi32, #tpu.memory_space<hbm>> -> memref<79x128xi32, #tpu.memory_space<hbm>>
      tpu.wait_dma2 semaphore(%run_scoped3A : memref<!tpu.dma_semaphore, #tpu.memory_space<semaphore_mem>>) src(%dma_wait3A_36 : memref<79x128xi32, #tpu.memory_space<hbm>>) dst(%arg8 : memref<79x128xi32, #tpu.memory_space<vmem>>)
      tpu.yield
    }) : () -> ()
    "tpu.region"() ({
      %run_scoped3A = tpu.sem_alloc : memref<!tpu.dma_semaphore, #tpu.memory_space<semaphore_mem>>
      %dma_start3A = arith.constant 0 : i32
      %dma_start3A_23 = arith.constant 0 : i32
      %dma_start3A_24 = tpu.memref_slice %arg5[%add3A, %dma_start3A, %dma_start3A_23] : memref<32x79x128xf32, #tpu.memory_space<hbm>> -> memref<1x79x128xf32, #tpu.memory_space<hbm>>
      %dma_start3A_25 = tpu.memref_squeeze %dma_start3A_24 : memref<1x79x128xf32, #tpu.memory_space<hbm>> -> memref<79x128xf32, #tpu.memory_space<hbm>>
      %dma_start3A_26 = arith.constant 0 : i32
      %dma_start3A_27 = arith.constant 0 : i32
      %dma_start3A_28 = tpu.memref_slice %arg5[%add3A, %dma_start3A_26, %dma_start3A_27] : memref<32x79x128xf32, #tpu.memory_space<hbm>> -> memref<1x79x128xf32, #tpu.memory_space<hbm>>
      %dma_start3A_29 = tpu.memref_squeeze %dma_start3A_28 : memref<1x79x128xf32, #tpu.memory_space<hbm>> -> memref<79x128xf32, #tpu.memory_space<hbm>>
      tpu.enqueue_dma source(%dma_start3A_29 : memref<79x128xf32, #tpu.memory_space<hbm>>) target(%arg9 : memref<79x128xf32, #tpu.memory_space<vmem>>) target_semaphore(%run_scoped3A : memref<!tpu.dma_semaphore, #tpu.memory_space<semaphore_mem>>)
      %dma_wait3A = arith.constant 0 : i32
      %dma_wait3A_30 = arith.constant 0 : i32
      %dma_wait3A_31 = tpu.memref_slice %arg5[%add3A, %dma_wait3A, %dma_wait3A_30] : memref<32x79x128xf32, #tpu.memory_space<hbm>> -> memref<1x79x128xf32, #tpu.memory_space<hbm>>
      %dma_wait3A_32 = tpu.memref_squeeze %dma_wait3A_31 : memref<1x79x128xf32, #tpu.memory_space<hbm>> -> memref<79x128xf32, #tpu.memory_space<hbm>>
      %dma_wait3A_33 = arith.constant 0 : i32
      %dma_wait3A_34 = arith.constant 0 : i32
      %dma_wait3A_35 = tpu.memref_slice %arg5[%add3A, %dma_wait3A_33, %dma_wait3A_34] : memref<32x79x128xf32, #tpu.memory_space<hbm>> -> memref<1x79x128xf32, #tpu.memory_space<hbm>>
      %dma_wait3A_36 = tpu.memref_squeeze %dma_wait3A_35 : memref<1x79x128xf32, #tpu.memory_space<hbm>> -> memref<79x128xf32, #tpu.memory_space<hbm>>
      tpu.wait_dma2 semaphore(%run_scoped3A : memref<!tpu.dma_semaphore, #tpu.memory_space<semaphore_mem>>) src(%dma_wait3A_36 : memref<79x128xf32, #tpu.memory_space<hbm>>) dst(%arg9 : memref<79x128xf32, #tpu.memory_space<vmem>>)
      tpu.yield
    }) : () -> ()
    %scan3A_17 = arith.constant 0 : i32
    %scan3A_18 = arith.constant 79 : i32
    %scan3A_19 = arith.addi %scan3A_17, %scan3A_18 : i32
    %scan3A_20 = arith.constant 1 : i32
    scf.for %scan3A_23 = %scan3A_17 to %scan3A_19 step %scan3A_20  : i32 {
      %mul3A_24 = arith.constant 1 : i32
      %mul3A_25 = arith.muli %scan3A_23, %mul3A_24 : i32
      %add3A_26 = arith.constant 0 : i32
      %add3A_27 = arith.addi %add3A_26, %mul3A_25 : i32
      %dma_start3A = arith.constant 0 : i32
      %dma_start3A_28 = tpu.memref_slice %arg7[%add3A_27, %dma_start3A] : memref<79x128xi32, #tpu.memory_space<vmem>> -> memref<1x128xi32, #tpu.memory_space<vmem>>
      %dma_start3A_29 = tpu.memref_squeeze %dma_start3A_28 : memref<1x128xi32, #tpu.memory_space<vmem>> -> memref<128xi32, #tpu.memory_space<vmem>>
      %dma_start3A_30 = arith.constant 0 : i32
      %dma_start3A_31 = arith.constant 0 : i32
      %dma_start3A_32 = tpu.memref_slice %arg2[%dma_start3A_30, %dma_start3A_31] : memref<10000x128xf32, #tpu.memory_space<hbm>> -> memref<10000x128xf32, #tpu.memory_space<hbm>>
      tpu.enqueue_indirect_dma source(%dma_start3A_32 : memref<10000x128xf32, #tpu.memory_space<hbm>>) target(%arg10 : memref<128x128xf32, #tpu.memory_space<vmem>>) offsets(%dma_start3A_29 : memref<128xi32, #tpu.memory_space<vmem>>) semaphore(%arg12 : memref<!tpu.dma_semaphore, #tpu.memory_space<semaphore_mem>>)
      %dma_wait3A = arith.constant 0 : i32
      %dma_wait3A_33 = tpu.memref_slice %arg7[%add3A_27, %dma_wait3A] : memref<79x128xi32, #tpu.memory_space<vmem>> -> memref<1x128xi32, #tpu.memory_space<vmem>>
      %dma_wait3A_34 = tpu.memref_squeeze %dma_wait3A_33 : memref<1x128xi32, #tpu.memory_space<vmem>> -> memref<128xi32, #tpu.memory_space<vmem>>
      %dma_wait3A_35 = arith.constant 0 : i32
      %dma_wait3A_36 = arith.constant 0 : i32
      %dma_wait3A_37 = tpu.memref_slice %arg2[%dma_wait3A_35, %dma_wait3A_36] : memref<10000x128xf32, #tpu.memory_space<hbm>> -> memref<10000x128xf32, #tpu.memory_space<hbm>>
      tpu.wait_indirect_dma semaphore(%arg12 : memref<!tpu.dma_semaphore, #tpu.memory_space<semaphore_mem>>) src(%dma_wait3A_37 : memref<10000x128xf32, #tpu.memory_space<hbm>>) dst(%arg10 : memref<128x128xf32, #tpu.memory_space<vmem>>)
      %scan3A_38 = arith.constant 0 : i32
      %scan3A_39 = arith.constant 128 : i32
      %scan3A_40 = arith.addi %scan3A_38, %scan3A_39 : i32
      %scan3A_41 = arith.constant 1 : i32
      scf.for %scan3A_43 = %scan3A_38 to %scan3A_40 step %scan3A_41  : i32 {
        %mul3A_44 = arith.constant 1 : i32
        %mul3A_45 = arith.muli %scan3A_43, %mul3A_44 : i32
        %add3A_46 = arith.constant 0 : i32
        %add3A_47 = arith.addi %add3A_46, %mul3A_45 : i32
        %broadcast_in_dim3A = vector.broadcast %add3A_47 : i32 to vector<16xi32>
        %gather3A = arith.constant 0 : i32
        %gather3A_48 = tpu.memref_slice %arg9[%add3A_27, %gather3A] : memref<79x128xf32, #tpu.memory_space<vmem>> -> memref<1x128xf32, #tpu.memory_space<vmem>>
        %gather3A_49 = tpu.memref_squeeze %gather3A_48 : memref<1x128xf32, #tpu.memory_space<vmem>> -> memref<128xf32, #tpu.memory_space<vmem>>
        %gather3A_50 = tpu.vector_load_idx %gather3A_49[%broadcast_in_dim3A] : memref<128xf32, #tpu.memory_space<vmem>>[vector<16xi32>], vector<16xf32>,
        %get3A = arith.index_cast %add3A_47 : i32 to index
        %get3A_51 = arith.constant 0 : index
        %get3A_52 = tpu.vector_load %arg10[%get3A, %get3A_51] {strides = array<i32>} : memref<128x128xf32, #tpu.memory_space<vmem>>, vector<16xf32>,
        %mul3A_53 = arith.mulf %get3A_52, %gather3A_50 : vector<16xf32>
        %swap3A = arith.index_cast %add3A_47 : i32 to index
        %swap3A_54 = arith.constant 0 : index
        %swap3A_55 = tpu.vector_load %arg10[%swap3A, %swap3A_54] {strides = array<i32>} : memref<128x128xf32, #tpu.memory_space<vmem>>, vector<16xf32>,
        tpu.vector_store %arg10[%swap3A, %swap3A_54], %mul3A_53 {strides = array<i32>} : memref<128x128xf32, #tpu.memory_space<vmem>>, vector<16xf32>,
        %get3A_56 = arith.index_cast %add3A_47 : i32 to index
        %get3A_57 = arith.constant 16 : index
        %get3A_58 = tpu.vector_load %arg10[%get3A_56, %get3A_57] {strides = array<i32>} : memref<128x128xf32, #tpu.memory_space<vmem>>, vector<16xf32>,
        %mul3A_59 = arith.mulf %get3A_58, %gather3A_50 : vector<16xf32>
        %swap3A_60 = arith.index_cast %add3A_47 : i32 to index
        %swap3A_61 = arith.constant 16 : index
        %swap3A_62 = tpu.vector_load %arg10[%swap3A_60, %swap3A_61] {strides = array<i32>} : memref<128x128xf32, #tpu.memory_space<vmem>>, vector<16xf32>,
        tpu.vector_store %arg10[%swap3A_60, %swap3A_61], %mul3A_59 {strides = array<i32>} : memref<128x128xf32, #tpu.memory_space<vmem>>, vector<16xf32>,
        %get3A_63 = arith.index_cast %add3A_47 : i32 to index
        %get3A_64 = arith.constant 32 : index
        %get3A_65 = tpu.vector_load %arg10[%get3A_63, %get3A_64] {strides = array<i32>} : memref<128x128xf32, #tpu.memory_space<vmem>>, vector<16xf32>,
        %mul3A_66 = arith.mulf %get3A_65, %gather3A_50 : vector<16xf32>
        %swap3A_67 = arith.index_cast %add3A_47 : i32 to index
        %swap3A_68 = arith.constant 32 : index
        %swap3A_69 = tpu.vector_load %arg10[%swap3A_67, %swap3A_68] {strides = array<i32>} : memref<128x128xf32, #tpu.memory_space<vmem>>, vector<16xf32>,
        tpu.vector_store %arg10[%swap3A_67, %swap3A_68], %mul3A_66 {strides = array<i32>} : memref<128x128xf32, #tpu.memory_space<vmem>>, vector<16xf32>,
        %get3A_70 = arith.index_cast %add3A_47 : i32 to index
        %get3A_71 = arith.constant 48 : index
        %get3A_72 = tpu.vector_load %arg10[%get3A_70, %get3A_71] {strides = array<i32>} : memref<128x128xf32, #tpu.memory_space<vmem>>, vector<16xf32>,
        %mul3A_73 = arith.mulf %get3A_72, %gather3A_50 : vector<16xf32>
        %swap3A_74 = arith.index_cast %add3A_47 : i32 to index
        %swap3A_75 = arith.constant 48 : index
        %swap3A_76 = tpu.vector_load %arg10[%swap3A_74, %swap3A_75] {strides = array<i32>} : memref<128x128xf32, #tpu.memory_space<vmem>>, vector<16xf32>,
        tpu.vector_store %arg10[%swap3A_74, %swap3A_75], %mul3A_73 {strides = array<i32>} : memref<128x128xf32, #tpu.memory_space<vmem>>, vector<16xf32>,
        %get3A_77 = arith.index_cast %add3A_47 : i32 to index
        %get3A_78 = arith.constant 64 : index
        %get3A_79 = tpu.vector_load %arg10[%get3A_77, %get3A_78] {strides = array<i32>} : memref<128x128xf32, #tpu.memory_space<vmem>>, vector<16xf32>,
        %mul3A_80 = arith.mulf %get3A_79, %gather3A_50 : vector<16xf32>
        %swap3A_81 = arith.index_cast %add3A_47 : i32 to index
        %swap3A_82 = arith.constant 64 : index
        %swap3A_83 = tpu.vector_load %arg10[%swap3A_81, %swap3A_82] {strides = array<i32>} : memref<128x128xf32, #tpu.memory_space<vmem>>, vector<16xf32>,
        tpu.vector_store %arg10[%swap3A_81, %swap3A_82], %mul3A_80 {strides = array<i32>} : memref<128x128xf32, #tpu.memory_space<vmem>>, vector<16xf32>,
        %get3A_84 = arith.index_cast %add3A_47 : i32 to index
        %get3A_85 = arith.constant 80 : index
        %get3A_86 = tpu.vector_load %arg10[%get3A_84, %get3A_85] {strides = array<i32>} : memref<128x128xf32, #tpu.memory_space<vmem>>, vector<16xf32>,
        %mul3A_87 = arith.mulf %get3A_86, %gather3A_50 : vector<16xf32>
        %swap3A_88 = arith.index_cast %add3A_47 : i32 to index
        %swap3A_89 = arith.constant 80 : index
        %swap3A_90 = tpu.vector_load %arg10[%swap3A_88, %swap3A_89] {strides = array<i32>} : memref<128x128xf32, #tpu.memory_space<vmem>>, vector<16xf32>,
        tpu.vector_store %arg10[%swap3A_88, %swap3A_89], %mul3A_87 {strides = array<i32>} : memref<128x128xf32, #tpu.memory_space<vmem>>, vector<16xf32>,
        %get3A_91 = arith.index_cast %add3A_47 : i32 to index
        %get3A_92 = arith.constant 96 : index
        %get3A_93 = tpu.vector_load %arg10[%get3A_91, %get3A_92] {strides = array<i32>} : memref<128x128xf32, #tpu.memory_space<vmem>>, vector<16xf32>,
        %mul3A_94 = arith.mulf %get3A_93, %gather3A_50 : vector<16xf32>
        %swap3A_95 = arith.index_cast %add3A_47 : i32 to index
        %swap3A_96 = arith.constant 96 : index
        %swap3A_97 = tpu.vector_load %arg10[%swap3A_95, %swap3A_96] {strides = array<i32>} : memref<128x128xf32, #tpu.memory_space<vmem>>, vector<16xf32>,
        tpu.vector_store %arg10[%swap3A_95, %swap3A_96], %mul3A_94 {strides = array<i32>} : memref<128x128xf32, #tpu.memory_space<vmem>>, vector<16xf32>,
        %get3A_98 = arith.index_cast %add3A_47 : i32 to index
        %get3A_99 = arith.constant 112 : index
        %get3A_100 = tpu.vector_load %arg10[%get3A_98, %get3A_99] {strides = array<i32>} : memref<128x128xf32, #tpu.memory_space<vmem>>, vector<16xf32>,
        %mul3A_101 = arith.mulf %get3A_100, %gather3A_50 : vector<16xf32>
        %swap3A_102 = arith.index_cast %add3A_47 : i32 to index
        %swap3A_103 = arith.constant 112 : index
        %swap3A_104 = tpu.vector_load %arg10[%swap3A_102, %swap3A_103] {strides = array<i32>} : memref<128x128xf32, #tpu.memory_space<vmem>>, vector<16xf32>,
        tpu.vector_store %arg10[%swap3A_102, %swap3A_103], %mul3A_101 {strides = array<i32>} : memref<128x128xf32, #tpu.memory_space<vmem>>, vector<16xf32>,
      }
      %scan3A_42 = arith.constant 128 : i32
      "tpu.region"() ({
        %run_scoped3A = tpu.sem_alloc : memref<!tpu.dma_semaphore, #tpu.memory_space<semaphore_mem>>
        %dma_start3A_43 = arith.constant 0 : i32
        %dma_start3A_44 = tpu.memref_slice %arg8[%add3A_27, %dma_start3A_43] : memref<79x128xi32, #tpu.memory_space<vmem>> -> memref<1x128xi32, #tpu.memory_space<vmem>>
        %dma_start3A_45 = tpu.memref_squeeze %dma_start3A_44 : memref<1x128xi32, #tpu.memory_space<vmem>> -> memref<128xi32, #tpu.memory_space<vmem>>
        %dma_start3A_46 = arith.constant 0 : i32
        %dma_start3A_47 = arith.constant 0 : i32
        %dma_start3A_48 = tpu.memref_slice %arg11[%dma_start3A_46, %dma_start3A_47] : memref<10240x128xf32, #tpu.memory_space<vmem_shared>> -> memref<10240x128xf32, #tpu.memory_space<vmem_shared>>
        tpu.enqueue_indirect_dma source(%arg10 : memref<128x128xf32, #tpu.memory_space<vmem>>) target(%dma_start3A_48 : memref<10240x128xf32, #tpu.memory_space<vmem_shared>>) offsets(%dma_start3A_45 : memref<128xi32, #tpu.memory_space<vmem>>) semaphore(%run_scoped3A : memref<!tpu.dma_semaphore, #tpu.memory_space<semaphore_mem>>) {add = true}
        %dma_wait3A_49 = arith.constant 0 : i32
        %dma_wait3A_50 = tpu.memref_slice %arg8[%add3A_27, %dma_wait3A_49] : memref<79x128xi32, #tpu.memory_space<vmem>> -> memref<1x128xi32, #tpu.memory_space<vmem>>
        %dma_wait3A_51 = tpu.memref_squeeze %dma_wait3A_50 : memref<1x128xi32, #tpu.memory_space<vmem>> -> memref<128xi32, #tpu.memory_space<vmem>>
        %dma_wait3A_52 = arith.constant 0 : i32
        %dma_wait3A_53 = arith.constant 0 : i32
        %dma_wait3A_54 = tpu.memref_slice %arg11[%dma_wait3A_52, %dma_wait3A_53] : memref<10240x128xf32, #tpu.memory_space<vmem_shared>> -> memref<10240x128xf32, #tpu.memory_space<vmem_shared>>
        tpu.wait_indirect_dma semaphore(%run_scoped3A : memref<!tpu.dma_semaphore, #tpu.memory_space<semaphore_mem>>) src(%arg10 : memref<128x128xf32, #tpu.memory_space<vmem>>) dst(%dma_wait3A_54 : memref<10240x128xf32, #tpu.memory_space<vmem_shared>>)
        tpu.yield
      }) : () -> ()
    }
    %scan3A_21 = arith.constant 79 : i32
    %barrier3A_22 = arith.constant 0 : index
    tpu.barrier barrier_id(%barrier3A_22)
    "tpu.region"() ({
      %run_scoped3A = tpu.sem_alloc : memref<!tpu.dma_semaphore, #tpu.memory_space<semaphore_mem>>
      %dma_start3A = arith.constant 0 : i32
      %dma_start3A_23 = tpu.memref_slice %arg6[%arg0, %mul3A_6, %dma_start3A] : memref<2x10240x128xf32, #tpu.memory_space<hbm>> -> memref<1x640x128xf32, #tpu.memory_space<hbm>>
      %dma_start3A_24 = tpu.memref_squeeze %dma_start3A_23 : memref<1x640x128xf32, #tpu.memory_space<hbm>> -> memref<640x128xf32, #tpu.memory_space<hbm>>
      %dma_start3A_25 = arith.constant 0 : i32
      %dma_start3A_26 = tpu.memref_slice %arg11[%mul3A_6, %dma_start3A_25] : memref<10240x128xf32, #tpu.memory_space<vmem_shared>> -> memref<640x128xf32, #tpu.memory_space<vmem_shared>>
      tpu.enqueue_dma source(%dma_start3A_26 : memref<640x128xf32, #tpu.memory_space<vmem_shared>>) target(%dma_start3A_24 : memref<640x128xf32, #tpu.memory_space<hbm>>) target_semaphore(%run_scoped3A : memref<!tpu.dma_semaphore, #tpu.memory_space<semaphore_mem>>)
      %dma_wait3A = arith.constant 0 : i32
      %dma_wait3A_27 = tpu.memref_slice %arg6[%arg0, %mul3A_6, %dma_wait3A] : memref<2x10240x128xf32, #tpu.memory_space<hbm>> -> memref<1x640x128xf32, #tpu.memory_space<hbm>>
      %dma_wait3A_28 = tpu.memref_squeeze %dma_wait3A_27 : memref<1x640x128xf32, #tpu.memory_space<hbm>> -> memref<640x128xf32, #tpu.memory_space<hbm>>
      %dma_wait3A_29 = arith.constant 0 : i32
      %dma_wait3A_30 = tpu.memref_slice %arg11[%mul3A_6, %dma_wait3A_29] : memref<10240x128xf32, #tpu.memory_space<vmem_shared>> -> memref<640x128xf32, #tpu.memory_space<vmem_shared>>
      tpu.wait_dma2 semaphore(%run_scoped3A : memref<!tpu.dma_semaphore, #tpu.memory_space<semaphore_mem>>) src(%dma_wait3A_30 : memref<640x128xf32, #tpu.memory_space<vmem_shared>>) dst(%dma_wait3A_28 : memref<640x128xf32, #tpu.memory_space<hbm>>)
      tpu.yield
    }) : () -> ()
    return
  }
}

#map = affine_map<(d0, d1) -> (0, 0)>
#map1 = affine_map<(d0, d1) -> (0, 0, 0)>
module attributes {stable_mosaic.version = 14 : i64} {
  func.func @agg(%arg0: i32, %arg1: i32, %arg2: memref<10000x128xf32, #tpu.memory_space<hbm>>, %arg3: memref<32x79x128xi32, #tpu.memory_space<hbm>>, %arg4: memref<32x79x128xi32, #tpu.memory_space<hbm>>, %arg5: memref<32x79x128xf32, #tpu.memory_space<hbm>>, %arg6: memref<2x10240x128xf32, #tpu.memory_space<hbm>>, %arg7: memref<79x128xi32, #tpu.memory_space<vmem>>, %arg8: memref<79x128xi32, #tpu.memory_space<vmem>>, %arg9: memref<79x128xf32, #tpu.memory_space<vmem>>, %arg10: memref<128x128xf32, #tpu.memory_space<vmem>>, %arg11: memref<10240x128xf32, #tpu.memory_space<vmem_shared>>, %arg12: memref<!tpu.dma_semaphore, #tpu.memory_space<semaphore_mem>>) attributes {dimension_semantics = [#tpu.dimension_semantics<core_parallel>, #tpu.dimension_semantics<subcore_parallel>], iteration_bounds = array<i64: 2, 16>, scalar_prefetch = 0 : i64, scratch_operands = 6 : i64, tpu.core_type = #tpu.core_type<sc_vector_subcore>, window_params = [{transform_indices = #map}, {transform_indices = #map1}, {transform_indices = #map1}, {transform_indices = #map1}, {transform_indices = #map1}]} {
    %mul3A = arith.constant 16 : i32
    %mul3A_0 = arith.muli %arg0, %mul3A : i32
    %add3A = arith.addi %mul3A_0, %arg1 : i32
    %scan3A = arith.constant 0 : i32
    %scan3A_1 = arith.constant 128 : i32
    %scan3A_2 = arith.addi %scan3A, %scan3A_1 : i32
    %scan3A_3 = arith.constant 1 : i32
    scf.for %scan3A_23 = %scan3A to %scan3A_2 step %scan3A_3  : i32 {
      %mul3A_24 = arith.constant 1 : i32
      %mul3A_25 = arith.muli %scan3A_23, %mul3A_24 : i32
      %add3A_26 = arith.constant 0 : i32
      %add3A_27 = arith.addi %add3A_26, %mul3A_25 : i32
      %broadcast_in_dim3A = arith.constant 0.000000e+00 : f32
      %broadcast_in_dim3A_28 = vector.broadcast %broadcast_in_dim3A : f32 to vector<16xf32>
      %swap3A = arith.index_cast %add3A_27 : i32 to index
      %swap3A_29 = arith.constant 0 : index
      %swap3A_30 = tpu.vector_load %arg10[%swap3A, %swap3A_29] {strides = array<i32>} : memref<128x128xf32, #tpu.memory_space<vmem>>, vector<16xf32>,
      tpu.vector_store %arg10[%swap3A, %swap3A_29], %broadcast_in_dim3A_28 {strides = array<i32>} : memref<128x128xf32, #tpu.memory_space<vmem>>, vector<16xf32>,
      %broadcast_in_dim3A_31 = arith.constant 0.000000e+00 : f32
      %broadcast_in_dim3A_32 = vector.broadcast %broadcast_in_dim3A_31 : f32 to vector<16xf32>
      %swap3A_33 = arith.index_cast %add3A_27 : i32 to index
      %swap3A_34 = arith.constant 16 : index
      %swap3A_35 = tpu.vector_load %arg10[%swap3A_33, %swap3A_34] {strides = array<i32>} : memref<128x128xf32, #tpu.memory_space<vmem>>, vector<16xf32>,
      tpu.vector_store %arg10[%swap3A_33, %swap3A_34], %broadcast_in_dim3A_32 {strides = array<i32>} : memref<128x128xf32, #tpu.memory_space<vmem>>, vector<16xf32>,
      %broadcast_in_dim3A_36 = arith.constant 0.000000e+00 : f32
      %broadcast_in_dim3A_37 = vector.broadcast %broadcast_in_dim3A_36 : f32 to vector<16xf32>
      %swap3A_38 = arith.index_cast %add3A_27 : i32 to index
      %swap3A_39 = arith.constant 32 : index
      %swap3A_40 = tpu.vector_load %arg10[%swap3A_38, %swap3A_39] {strides = array<i32>} : memref<128x128xf32, #tpu.memory_space<vmem>>, vector<16xf32>,
      tpu.vector_store %arg10[%swap3A_38, %swap3A_39], %broadcast_in_dim3A_37 {strides = array<i32>} : memref<128x128xf32, #tpu.memory_space<vmem>>, vector<16xf32>,
      %broadcast_in_dim3A_41 = arith.constant 0.000000e+00 : f32
      %broadcast_in_dim3A_42 = vector.broadcast %broadcast_in_dim3A_41 : f32 to vector<16xf32>
      %swap3A_43 = arith.index_cast %add3A_27 : i32 to index
      %swap3A_44 = arith.constant 48 : index
      %swap3A_45 = tpu.vector_load %arg10[%swap3A_43, %swap3A_44] {strides = array<i32>} : memref<128x128xf32, #tpu.memory_space<vmem>>, vector<16xf32>,
      tpu.vector_store %arg10[%swap3A_43, %swap3A_44], %broadcast_in_dim3A_42 {strides = array<i32>} : memref<128x128xf32, #tpu.memory_space<vmem>>, vector<16xf32>,
      %broadcast_in_dim3A_46 = arith.constant 0.000000e+00 : f32
      %broadcast_in_dim3A_47 = vector.broadcast %broadcast_in_dim3A_46 : f32 to vector<16xf32>
      %swap3A_48 = arith.index_cast %add3A_27 : i32 to index
      %swap3A_49 = arith.constant 64 : index
      %swap3A_50 = tpu.vector_load %arg10[%swap3A_48, %swap3A_49] {strides = array<i32>} : memref<128x128xf32, #tpu.memory_space<vmem>>, vector<16xf32>,
      tpu.vector_store %arg10[%swap3A_48, %swap3A_49], %broadcast_in_dim3A_47 {strides = array<i32>} : memref<128x128xf32, #tpu.memory_space<vmem>>, vector<16xf32>,
      %broadcast_in_dim3A_51 = arith.constant 0.000000e+00 : f32
      %broadcast_in_dim3A_52 = vector.broadcast %broadcast_in_dim3A_51 : f32 to vector<16xf32>
      %swap3A_53 = arith.index_cast %add3A_27 : i32 to index
      %swap3A_54 = arith.constant 80 : index
      %swap3A_55 = tpu.vector_load %arg10[%swap3A_53, %swap3A_54] {strides = array<i32>} : memref<128x128xf32, #tpu.memory_space<vmem>>, vector<16xf32>,
      tpu.vector_store %arg10[%swap3A_53, %swap3A_54], %broadcast_in_dim3A_52 {strides = array<i32>} : memref<128x128xf32, #tpu.memory_space<vmem>>, vector<16xf32>,
      %broadcast_in_dim3A_56 = arith.constant 0.000000e+00 : f32
      %broadcast_in_dim3A_57 = vector.broadcast %broadcast_in_dim3A_56 : f32 to vector<16xf32>
      %swap3A_58 = arith.index_cast %add3A_27 : i32 to index
      %swap3A_59 = arith.constant 96 : index
      %swap3A_60 = tpu.vector_load %arg10[%swap3A_58, %swap3A_59] {strides = array<i32>} : memref<128x128xf32, #tpu.memory_space<vmem>>, vector<16xf32>,
      tpu.vector_store %arg10[%swap3A_58, %swap3A_59], %broadcast_in_dim3A_57 {strides = array<i32>} : memref<128x128xf32, #tpu.memory_space<vmem>>, vector<16xf32>,
      %broadcast_in_dim3A_61 = arith.constant 0.000000e+00 : f32
      %broadcast_in_dim3A_62 = vector.broadcast %broadcast_in_dim3A_61 : f32 to vector<16xf32>
      %swap3A_63 = arith.index_cast %add3A_27 : i32 to index
      %swap3A_64 = arith.constant 112 : index
      %swap3A_65 = tpu.vector_load %arg10[%swap3A_63, %swap3A_64] {strides = array<i32>} : memref<128x128xf32, #tpu.memory_space<vmem>>, vector<16xf32>,
      tpu.vector_store %arg10[%swap3A_63, %swap3A_64], %broadcast_in_dim3A_62 {strides = array<i32>} : memref<128x128xf32, #tpu.memory_space<vmem>>, vector<16xf32>,
    }
    %scan3A_4 = arith.constant 128 : i32
    %mul3A_5 = arith.constant 640 : i32
    %mul3A_6 = arith.muli %arg1, %mul3A_5 : i32
    %add3A_7 = arith.constant 0 : i32
    %add3A_8 = arith.addi %mul3A_6, %add3A_7 : i32
    "tpu.region"() ({
      %run_scoped3A = tpu.sem_alloc : memref<!tpu.dma_semaphore, #tpu.memory_space<semaphore_mem>>
      %dma_start3A = arith.constant 0 : i32
      %dma_start3A_23 = tpu.memref_slice %arg11[%add3A_8, %dma_start3A] : memref<10240x128xf32, #tpu.memory_space<vmem_shared>> -> memref<128x128xf32, #tpu.memory_space<vmem_shared>>
      %dma_start3A_24 = arith.constant 0 : i32
      %dma_start3A_25 = tpu.memref_slice %arg11[%add3A_8, %dma_start3A_24] : memref<10240x128xf32, #tpu.memory_space<vmem_shared>> -> memref<128x128xf32, #tpu.memory_space<vmem_shared>>
      tpu.enqueue_dma source(%arg10 : memref<128x128xf32, #tpu.memory_space<vmem>>) target(%dma_start3A_25 : memref<128x128xf32, #tpu.memory_space<vmem_shared>>) target_semaphore(%run_scoped3A : memref<!tpu.dma_semaphore, #tpu.memory_space<semaphore_mem>>)
      %dma_wait3A = arith.constant 0 : i32
      %dma_wait3A_26 = tpu.memref_slice %arg11[%add3A_8, %dma_wait3A] : memref<10240x128xf32, #tpu.memory_space<vmem_shared>> -> memref<128x128xf32, #tpu.memory_space<vmem_shared>>
      %dma_wait3A_27 = arith.constant 0 : i32
      %dma_wait3A_28 = tpu.memref_slice %arg11[%add3A_8, %dma_wait3A_27] : memref<10240x128xf32, #tpu.memory_space<vmem_shared>> -> memref<128x128xf32, #tpu.memory_space<vmem_shared>>
      tpu.wait_dma2 semaphore(%run_scoped3A : memref<!tpu.dma_semaphore, #tpu.memory_space<semaphore_mem>>) src(%arg10 : memref<128x128xf32, #tpu.memory_space<vmem>>) dst(%dma_wait3A_28 : memref<128x128xf32, #tpu.memory_space<vmem_shared>>)
      tpu.yield
    }) : () -> ()
    %add3A_9 = arith.constant 128 : i32
    %add3A_10 = arith.addi %mul3A_6, %add3A_9 : i32
    "tpu.region"() ({
      %run_scoped3A = tpu.sem_alloc : memref<!tpu.dma_semaphore, #tpu.memory_space<semaphore_mem>>
      %dma_start3A = arith.constant 0 : i32
      %dma_start3A_23 = tpu.memref_slice %arg11[%add3A_10, %dma_start3A] : memref<10240x128xf32, #tpu.memory_space<vmem_shared>> -> memref<128x128xf32, #tpu.memory_space<vmem_shared>>
      %dma_start3A_24 = arith.constant 0 : i32
      %dma_start3A_25 = tpu.memref_slice %arg11[%add3A_10, %dma_start3A_24] : memref<10240x128xf32, #tpu.memory_space<vmem_shared>> -> memref<128x128xf32, #tpu.memory_space<vmem_shared>>
      tpu.enqueue_dma source(%arg10 : memref<128x128xf32, #tpu.memory_space<vmem>>) target(%dma_start3A_25 : memref<128x128xf32, #tpu.memory_space<vmem_shared>>) target_semaphore(%run_scoped3A : memref<!tpu.dma_semaphore, #tpu.memory_space<semaphore_mem>>)
      %dma_wait3A = arith.constant 0 : i32
      %dma_wait3A_26 = tpu.memref_slice %arg11[%add3A_10, %dma_wait3A] : memref<10240x128xf32, #tpu.memory_space<vmem_shared>> -> memref<128x128xf32, #tpu.memory_space<vmem_shared>>
      %dma_wait3A_27 = arith.constant 0 : i32
      %dma_wait3A_28 = tpu.memref_slice %arg11[%add3A_10, %dma_wait3A_27] : memref<10240x128xf32, #tpu.memory_space<vmem_shared>> -> memref<128x128xf32, #tpu.memory_space<vmem_shared>>
      tpu.wait_dma2 semaphore(%run_scoped3A : memref<!tpu.dma_semaphore, #tpu.memory_space<semaphore_mem>>) src(%arg10 : memref<128x128xf32, #tpu.memory_space<vmem>>) dst(%dma_wait3A_28 : memref<128x128xf32, #tpu.memory_space<vmem_shared>>)
      tpu.yield
    }) : () -> ()
    %add3A_11 = arith.constant 256 : i32
    %add3A_12 = arith.addi %mul3A_6, %add3A_11 : i32
    "tpu.region"() ({
      %run_scoped3A = tpu.sem_alloc : memref<!tpu.dma_semaphore, #tpu.memory_space<semaphore_mem>>
      %dma_start3A = arith.constant 0 : i32
      %dma_start3A_23 = tpu.memref_slice %arg11[%add3A_12, %dma_start3A] : memref<10240x128xf32, #tpu.memory_space<vmem_shared>> -> memref<128x128xf32, #tpu.memory_space<vmem_shared>>
      %dma_start3A_24 = arith.constant 0 : i32
      %dma_start3A_25 = tpu.memref_slice %arg11[%add3A_12, %dma_start3A_24] : memref<10240x128xf32, #tpu.memory_space<vmem_shared>> -> memref<128x128xf32, #tpu.memory_space<vmem_shared>>
      tpu.enqueue_dma source(%arg10 : memref<128x128xf32, #tpu.memory_space<vmem>>) target(%dma_start3A_25 : memref<128x128xf32, #tpu.memory_space<vmem_shared>>) target_semaphore(%run_scoped3A : memref<!tpu.dma_semaphore, #tpu.memory_space<semaphore_mem>>)
      %dma_wait3A = arith.constant 0 : i32
      %dma_wait3A_26 = tpu.memref_slice %arg11[%add3A_12, %dma_wait3A] : memref<10240x128xf32, #tpu.memory_space<vmem_shared>> -> memref<128x128xf32, #tpu.memory_space<vmem_shared>>
      %dma_wait3A_27 = arith.constant 0 : i32
      %dma_wait3A_28 = tpu.memref_slice %arg11[%add3A_12, %dma_wait3A_27] : memref<10240x128xf32, #tpu.memory_space<vmem_shared>> -> memref<128x128xf32, #tpu.memory_space<vmem_shared>>
      tpu.wait_dma2 semaphore(%run_scoped3A : memref<!tpu.dma_semaphore, #tpu.memory_space<semaphore_mem>>) src(%arg10 : memref<128x128xf32, #tpu.memory_space<vmem>>) dst(%dma_wait3A_28 : memref<128x128xf32, #tpu.memory_space<vmem_shared>>)
      tpu.yield
    }) : () -> ()
    %add3A_13 = arith.constant 384 : i32
    %add3A_14 = arith.addi %mul3A_6, %add3A_13 : i32
    "tpu.region"() ({
      %run_scoped3A = tpu.sem_alloc : memref<!tpu.dma_semaphore, #tpu.memory_space<semaphore_mem>>
      %dma_start3A = arith.constant 0 : i32
      %dma_start3A_23 = tpu.memref_slice %arg11[%add3A_14, %dma_start3A] : memref<10240x128xf32, #tpu.memory_space<vmem_shared>> -> memref<128x128xf32, #tpu.memory_space<vmem_shared>>
      %dma_start3A_24 = arith.constant 0 : i32
      %dma_start3A_25 = tpu.memref_slice %arg11[%add3A_14, %dma_start3A_24] : memref<10240x128xf32, #tpu.memory_space<vmem_shared>> -> memref<128x128xf32, #tpu.memory_space<vmem_shared>>
      tpu.enqueue_dma source(%arg10 : memref<128x128xf32, #tpu.memory_space<vmem>>) target(%dma_start3A_25 : memref<128x128xf32, #tpu.memory_space<vmem_shared>>) target_semaphore(%run_scoped3A : memref<!tpu.dma_semaphore, #tpu.memory_space<semaphore_mem>>)
      %dma_wait3A = arith.constant 0 : i32
      %dma_wait3A_26 = tpu.memref_slice %arg11[%add3A_14, %dma_wait3A] : memref<10240x128xf32, #tpu.memory_space<vmem_shared>> -> memref<128x128xf32, #tpu.memory_space<vmem_shared>>
      %dma_wait3A_27 = arith.constant 0 : i32
      %dma_wait3A_28 = tpu.memref_slice %arg11[%add3A_14, %dma_wait3A_27] : memref<10240x128xf32, #tpu.memory_space<vmem_shared>> -> memref<128x128xf32, #tpu.memory_space<vmem_shared>>
      tpu.wait_dma2 semaphore(%run_scoped3A : memref<!tpu.dma_semaphore, #tpu.memory_space<semaphore_mem>>) src(%arg10 : memref<128x128xf32, #tpu.memory_space<vmem>>) dst(%dma_wait3A_28 : memref<128x128xf32, #tpu.memory_space<vmem_shared>>)
      tpu.yield
    }) : () -> ()
    %add3A_15 = arith.constant 512 : i32
    %add3A_16 = arith.addi %mul3A_6, %add3A_15 : i32
    "tpu.region"() ({
      %run_scoped3A = tpu.sem_alloc : memref<!tpu.dma_semaphore, #tpu.memory_space<semaphore_mem>>
      %dma_start3A = arith.constant 0 : i32
      %dma_start3A_23 = tpu.memref_slice %arg11[%add3A_16, %dma_start3A] : memref<10240x128xf32, #tpu.memory_space<vmem_shared>> -> memref<128x128xf32, #tpu.memory_space<vmem_shared>>
      %dma_start3A_24 = arith.constant 0 : i32
      %dma_start3A_25 = tpu.memref_slice %arg11[%add3A_16, %dma_start3A_24] : memref<10240x128xf32, #tpu.memory_space<vmem_shared>> -> memref<128x128xf32, #tpu.memory_space<vmem_shared>>
      tpu.enqueue_dma source(%arg10 : memref<128x128xf32, #tpu.memory_space<vmem>>) target(%dma_start3A_25 : memref<128x128xf32, #tpu.memory_space<vmem_shared>>) target_semaphore(%run_scoped3A : memref<!tpu.dma_semaphore, #tpu.memory_space<semaphore_mem>>)
      %dma_wait3A = arith.constant 0 : i32
      %dma_wait3A_26 = tpu.memref_slice %arg11[%add3A_16, %dma_wait3A] : memref<10240x128xf32, #tpu.memory_space<vmem_shared>> -> memref<128x128xf32, #tpu.memory_space<vmem_shared>>
      %dma_wait3A_27 = arith.constant 0 : i32
      %dma_wait3A_28 = tpu.memref_slice %arg11[%add3A_16, %dma_wait3A_27] : memref<10240x128xf32, #tpu.memory_space<vmem_shared>> -> memref<128x128xf32, #tpu.memory_space<vmem_shared>>
      tpu.wait_dma2 semaphore(%run_scoped3A : memref<!tpu.dma_semaphore, #tpu.memory_space<semaphore_mem>>) src(%arg10 : memref<128x128xf32, #tpu.memory_space<vmem>>) dst(%dma_wait3A_28 : memref<128x128xf32, #tpu.memory_space<vmem_shared>>)
      tpu.yield
    }) : () -> ()
    %barrier3A = arith.constant 0 : index
    tpu.barrier barrier_id(%barrier3A)
    "tpu.region"() ({
      %run_scoped3A = tpu.sem_alloc : memref<!tpu.dma_semaphore, #tpu.memory_space<semaphore_mem>>
      %dma_start3A = arith.constant 0 : i32
      %dma_start3A_23 = arith.constant 0 : i32
      %dma_start3A_24 = tpu.memref_slice %arg3[%add3A, %dma_start3A, %dma_start3A_23] : memref<32x79x128xi32, #tpu.memory_space<hbm>> -> memref<1x79x128xi32, #tpu.memory_space<hbm>>
      %dma_start3A_25 = tpu.memref_squeeze %dma_start3A_24 : memref<1x79x128xi32, #tpu.memory_space<hbm>> -> memref<79x128xi32, #tpu.memory_space<hbm>>
      %dma_start3A_26 = arith.constant 0 : i32
      %dma_start3A_27 = arith.constant 0 : i32
      %dma_start3A_28 = tpu.memref_slice %arg3[%add3A, %dma_start3A_26, %dma_start3A_27] : memref<32x79x128xi32, #tpu.memory_space<hbm>> -> memref<1x79x128xi32, #tpu.memory_space<hbm>>
      %dma_start3A_29 = tpu.memref_squeeze %dma_start3A_28 : memref<1x79x128xi32, #tpu.memory_space<hbm>> -> memref<79x128xi32, #tpu.memory_space<hbm>>
      tpu.enqueue_dma source(%dma_start3A_29 : memref<79x128xi32, #tpu.memory_space<hbm>>) target(%arg7 : memref<79x128xi32, #tpu.memory_space<vmem>>) target_semaphore(%run_scoped3A : memref<!tpu.dma_semaphore, #tpu.memory_space<semaphore_mem>>)
      %dma_wait3A = arith.constant 0 : i32
      %dma_wait3A_30 = arith.constant 0 : i32
      %dma_wait3A_31 = tpu.memref_slice %arg3[%add3A, %dma_wait3A, %dma_wait3A_30] : memref<32x79x128xi32, #tpu.memory_space<hbm>> -> memref<1x79x128xi32, #tpu.memory_space<hbm>>
      %dma_wait3A_32 = tpu.memref_squeeze %dma_wait3A_31 : memref<1x79x128xi32, #tpu.memory_space<hbm>> -> memref<79x128xi32, #tpu.memory_space<hbm>>
      %dma_wait3A_33 = arith.constant 0 : i32
      %dma_wait3A_34 = arith.constant 0 : i32
      %dma_wait3A_35 = tpu.memref_slice %arg3[%add3A, %dma_wait3A_33, %dma_wait3A_34] : memref<32x79x128xi32, #tpu.memory_space<hbm>> -> memref<1x79x128xi32, #tpu.memory_space<hbm>>
      %dma_wait3A_36 = tpu.memref_squeeze %dma_wait3A_35 : memref<1x79x128xi32, #tpu.memory_space<hbm>> -> memref<79x128xi32, #tpu.memory_space<hbm>>
      tpu.wait_dma2 semaphore(%run_scoped3A : memref<!tpu.dma_semaphore, #tpu.memory_space<semaphore_mem>>) src(%dma_wait3A_36 : memref<79x128xi32, #tpu.memory_space<hbm>>) dst(%arg7 : memref<79x128xi32, #tpu.memory_space<vmem>>)
      tpu.yield
    }) : () -> ()
    "tpu.region"() ({
      %run_scoped3A = tpu.sem_alloc : memref<!tpu.dma_semaphore, #tpu.memory_space<semaphore_mem>>
      %dma_start3A = arith.constant 0 : i32
      %dma_start3A_23 = arith.constant 0 : i32
      %dma_start3A_24 = tpu.memref_slice %arg4[%add3A, %dma_start3A, %dma_start3A_23] : memref<32x79x128xi32, #tpu.memory_space<hbm>> -> memref<1x79x128xi32, #tpu.memory_space<hbm>>
      %dma_start3A_25 = tpu.memref_squeeze %dma_start3A_24 : memref<1x79x128xi32, #tpu.memory_space<hbm>> -> memref<79x128xi32, #tpu.memory_space<hbm>>
      %dma_start3A_26 = arith.constant 0 : i32
      %dma_start3A_27 = arith.constant 0 : i32
      %dma_start3A_28 = tpu.memref_slice %arg4[%add3A, %dma_start3A_26, %dma_start3A_27] : memref<32x79x128xi32, #tpu.memory_space<hbm>> -> memref<1x79x128xi32, #tpu.memory_space<hbm>>
      %dma_start3A_29 = tpu.memref_squeeze %dma_start3A_28 : memref<1x79x128xi32, #tpu.memory_space<hbm>> -> memref<79x128xi32, #tpu.memory_space<hbm>>
      tpu.enqueue_dma source(%dma_start3A_29 : memref<79x128xi32, #tpu.memory_space<hbm>>) target(%arg8 : memref<79x128xi32, #tpu.memory_space<vmem>>) target_semaphore(%run_scoped3A : memref<!tpu.dma_semaphore, #tpu.memory_space<semaphore_mem>>)
      %dma_wait3A = arith.constant 0 : i32
      %dma_wait3A_30 = arith.constant 0 : i32
      %dma_wait3A_31 = tpu.memref_slice %arg4[%add3A, %dma_wait3A, %dma_wait3A_30] : memref<32x79x128xi32, #tpu.memory_space<hbm>> -> memref<1x79x128xi32, #tpu.memory_space<hbm>>
      %dma_wait3A_32 = tpu.memref_squeeze %dma_wait3A_31 : memref<1x79x128xi32, #tpu.memory_space<hbm>> -> memref<79x128xi32, #tpu.memory_space<hbm>>
      %dma_wait3A_33 = arith.constant 0 : i32
      %dma_wait3A_34 = arith.constant 0 : i32
      %dma_wait3A_35 = tpu.memref_slice %arg4[%add3A, %dma_wait3A_33, %dma_wait3A_34] : memref<32x79x128xi32, #tpu.memory_space<hbm>> -> memref<1x79x128xi32, #tpu.memory_space<hbm>>
      %dma_wait3A_36 = tpu.memref_squeeze %dma_wait3A_35 : memref<1x79x128xi32, #tpu.memory_space<hbm>> -> memref<79x128xi32, #tpu.memory_space<hbm>>
      tpu.wait_dma2 semaphore(%run_scoped3A : memref<!tpu.dma_semaphore, #tpu.memory_space<semaphore_mem>>) src(%dma_wait3A_36 : memref<79x128xi32, #tpu.memory_space<hbm>>) dst(%arg8 : memref<79x128xi32, #tpu.memory_space<vmem>>)
      tpu.yield
    }) : () -> ()
    "tpu.region"() ({
      %run_scoped3A = tpu.sem_alloc : memref<!tpu.dma_semaphore, #tpu.memory_space<semaphore_mem>>
      %dma_start3A = arith.constant 0 : i32
      %dma_start3A_23 = arith.constant 0 : i32
      %dma_start3A_24 = tpu.memref_slice %arg5[%add3A, %dma_start3A, %dma_start3A_23] : memref<32x79x128xf32, #tpu.memory_space<hbm>> -> memref<1x79x128xf32, #tpu.memory_space<hbm>>
      %dma_start3A_25 = tpu.memref_squeeze %dma_start3A_24 : memref<1x79x128xf32, #tpu.memory_space<hbm>> -> memref<79x128xf32, #tpu.memory_space<hbm>>
      %dma_start3A_26 = arith.constant 0 : i32
      %dma_start3A_27 = arith.constant 0 : i32
      %dma_start3A_28 = tpu.memref_slice %arg5[%add3A, %dma_start3A_26, %dma_start3A_27] : memref<32x79x128xf32, #tpu.memory_space<hbm>> -> memref<1x79x128xf32, #tpu.memory_space<hbm>>
      %dma_start3A_29 = tpu.memref_squeeze %dma_start3A_28 : memref<1x79x128xf32, #tpu.memory_space<hbm>> -> memref<79x128xf32, #tpu.memory_space<hbm>>
      tpu.enqueue_dma source(%dma_start3A_29 : memref<79x128xf32, #tpu.memory_space<hbm>>) target(%arg9 : memref<79x128xf32, #tpu.memory_space<vmem>>) target_semaphore(%run_scoped3A : memref<!tpu.dma_semaphore, #tpu.memory_space<semaphore_mem>>)
      %dma_wait3A = arith.constant 0 : i32
      %dma_wait3A_30 = arith.constant 0 : i32
      %dma_wait3A_31 = tpu.memref_slice %arg5[%add3A, %dma_wait3A, %dma_wait3A_30] : memref<32x79x128xf32, #tpu.memory_space<hbm>> -> memref<1x79x128xf32, #tpu.memory_space<hbm>>
      %dma_wait3A_32 = tpu.memref_squeeze %dma_wait3A_31 : memref<1x79x128xf32, #tpu.memory_space<hbm>> -> memref<79x128xf32, #tpu.memory_space<hbm>>
      %dma_wait3A_33 = arith.constant 0 : i32
      %dma_wait3A_34 = arith.constant 0 : i32
      %dma_wait3A_35 = tpu.memref_slice %arg5[%add3A, %dma_wait3A_33, %dma_wait3A_34] : memref<32x79x128xf32, #tpu.memory_space<hbm>> -> memref<1x79x128xf32, #tpu.memory_space<hbm>>
      %dma_wait3A_36 = tpu.memref_squeeze %dma_wait3A_35 : memref<1x79x128xf32, #tpu.memory_space<hbm>> -> memref<79x128xf32, #tpu.memory_space<hbm>>
      tpu.wait_dma2 semaphore(%run_scoped3A : memref<!tpu.dma_semaphore, #tpu.memory_space<semaphore_mem>>) src(%dma_wait3A_36 : memref<79x128xf32, #tpu.memory_space<hbm>>) dst(%arg9 : memref<79x128xf32, #tpu.memory_space<vmem>>)
      tpu.yield
    }) : () -> ()
    %scan3A_17 = arith.constant 0 : i32
    %scan3A_18 = arith.constant 79 : i32
    %scan3A_19 = arith.addi %scan3A_17, %scan3A_18 : i32
    %scan3A_20 = arith.constant 1 : i32
    scf.for %scan3A_23 = %scan3A_17 to %scan3A_19 step %scan3A_20  : i32 {
      %mul3A_24 = arith.constant 1 : i32
      %mul3A_25 = arith.muli %scan3A_23, %mul3A_24 : i32
      %add3A_26 = arith.constant 0 : i32
      %add3A_27 = arith.addi %add3A_26, %mul3A_25 : i32
      %dma_start3A = arith.constant 0 : i32
      %dma_start3A_28 = tpu.memref_slice %arg7[%add3A_27, %dma_start3A] : memref<79x128xi32, #tpu.memory_space<vmem>> -> memref<1x128xi32, #tpu.memory_space<vmem>>
      %dma_start3A_29 = tpu.memref_squeeze %dma_start3A_28 : memref<1x128xi32, #tpu.memory_space<vmem>> -> memref<128xi32, #tpu.memory_space<vmem>>
      %dma_start3A_30 = arith.constant 0 : i32
      %dma_start3A_31 = arith.constant 0 : i32
      %dma_start3A_32 = tpu.memref_slice %arg2[%dma_start3A_30, %dma_start3A_31] : memref<10000x128xf32, #tpu.memory_space<hbm>> -> memref<10000x128xf32, #tpu.memory_space<hbm>>
      tpu.enqueue_indirect_dma source(%dma_start3A_32 : memref<10000x128xf32, #tpu.memory_space<hbm>>) target(%arg10 : memref<128x128xf32, #tpu.memory_space<vmem>>) offsets(%dma_start3A_29 : memref<128xi32, #tpu.memory_space<vmem>>) semaphore(%arg12 : memref<!tpu.dma_semaphore, #tpu.memory_space<semaphore_mem>>)
      %dma_wait3A = arith.constant 0 : i32
      %dma_wait3A_33 = tpu.memref_slice %arg7[%add3A_27, %dma_wait3A] : memref<79x128xi32, #tpu.memory_space<vmem>> -> memref<1x128xi32, #tpu.memory_space<vmem>>
      %dma_wait3A_34 = tpu.memref_squeeze %dma_wait3A_33 : memref<1x128xi32, #tpu.memory_space<vmem>> -> memref<128xi32, #tpu.memory_space<vmem>>
      %dma_wait3A_35 = arith.constant 0 : i32
      %dma_wait3A_36 = arith.constant 0 : i32
      %dma_wait3A_37 = tpu.memref_slice %arg2[%dma_wait3A_35, %dma_wait3A_36] : memref<10000x128xf32, #tpu.memory_space<hbm>> -> memref<10000x128xf32, #tpu.memory_space<hbm>>
      tpu.wait_indirect_dma semaphore(%arg12 : memref<!tpu.dma_semaphore, #tpu.memory_space<semaphore_mem>>) src(%dma_wait3A_37 : memref<10000x128xf32, #tpu.memory_space<hbm>>) dst(%arg10 : memref<128x128xf32, #tpu.memory_space<vmem>>)
      %scan3A_38 = arith.constant 0 : i32
      %scan3A_39 = arith.constant 128 : i32
      %scan3A_40 = arith.addi %scan3A_38, %scan3A_39 : i32
      %scan3A_41 = arith.constant 1 : i32
      scf.for %scan3A_43 = %scan3A_38 to %scan3A_40 step %scan3A_41  : i32 {
        %mul3A_44 = arith.constant 1 : i32
        %mul3A_45 = arith.muli %scan3A_43, %mul3A_44 : i32
        %add3A_46 = arith.constant 0 : i32
        %add3A_47 = arith.addi %add3A_46, %mul3A_45 : i32
        %broadcast_in_dim3A = vector.broadcast %add3A_47 : i32 to vector<16xi32>
        %gather3A = arith.constant 0 : i32
        %gather3A_48 = tpu.memref_slice %arg9[%add3A_27, %gather3A] : memref<79x128xf32, #tpu.memory_space<vmem>> -> memref<1x128xf32, #tpu.memory_space<vmem>>
        %gather3A_49 = tpu.memref_squeeze %gather3A_48 : memref<1x128xf32, #tpu.memory_space<vmem>> -> memref<128xf32, #tpu.memory_space<vmem>>
        %gather3A_50 = tpu.vector_load_idx %gather3A_49[%broadcast_in_dim3A] : memref<128xf32, #tpu.memory_space<vmem>>[vector<16xi32>], vector<16xf32>,
        %get3A = arith.index_cast %add3A_47 : i32 to index
        %get3A_51 = arith.constant 0 : index
        %get3A_52 = tpu.vector_load %arg10[%get3A, %get3A_51] {strides = array<i32>} : memref<128x128xf32, #tpu.memory_space<vmem>>, vector<16xf32>,
        %mul3A_53 = arith.mulf %get3A_52, %gather3A_50 : vector<16xf32>
        %swap3A = arith.index_cast %add3A_47 : i32 to index
        %swap3A_54 = arith.constant 0 : index
        %swap3A_55 = tpu.vector_load %arg10[%swap3A, %swap3A_54] {strides = array<i32>} : memref<128x128xf32, #tpu.memory_space<vmem>>, vector<16xf32>,
        tpu.vector_store %arg10[%swap3A, %swap3A_54], %mul3A_53 {strides = array<i32>} : memref<128x128xf32, #tpu.memory_space<vmem>>, vector<16xf32>,
        %get3A_56 = arith.index_cast %add3A_47 : i32 to index
        %get3A_57 = arith.constant 16 : index
        %get3A_58 = tpu.vector_load %arg10[%get3A_56, %get3A_57] {strides = array<i32>} : memref<128x128xf32, #tpu.memory_space<vmem>>, vector<16xf32>,
        %mul3A_59 = arith.mulf %get3A_58, %gather3A_50 : vector<16xf32>
        %swap3A_60 = arith.index_cast %add3A_47 : i32 to index
        %swap3A_61 = arith.constant 16 : index
        %swap3A_62 = tpu.vector_load %arg10[%swap3A_60, %swap3A_61] {strides = array<i32>} : memref<128x128xf32, #tpu.memory_space<vmem>>, vector<16xf32>,
        tpu.vector_store %arg10[%swap3A_60, %swap3A_61], %mul3A_59 {strides = array<i32>} : memref<128x128xf32, #tpu.memory_space<vmem>>, vector<16xf32>,
        %get3A_63 = arith.index_cast %add3A_47 : i32 to index
        %get3A_64 = arith.constant 32 : index
        %get3A_65 = tpu.vector_load %arg10[%get3A_63, %get3A_64] {strides = array<i32>} : memref<128x128xf32, #tpu.memory_space<vmem>>, vector<16xf32>,
        %mul3A_66 = arith.mulf %get3A_65, %gather3A_50 : vector<16xf32>
        %swap3A_67 = arith.index_cast %add3A_47 : i32 to index
        %swap3A_68 = arith.constant 32 : index
        %swap3A_69 = tpu.vector_load %arg10[%swap3A_67, %swap3A_68] {strides = array<i32>} : memref<128x128xf32, #tpu.memory_space<vmem>>, vector<16xf32>,
        tpu.vector_store %arg10[%swap3A_67, %swap3A_68], %mul3A_66 {strides = array<i32>} : memref<128x128xf32, #tpu.memory_space<vmem>>, vector<16xf32>,
        %get3A_70 = arith.index_cast %add3A_47 : i32 to index
        %get3A_71 = arith.constant 48 : index
        %get3A_72 = tpu.vector_load %arg10[%get3A_70, %get3A_71] {strides = array<i32>} : memref<128x128xf32, #tpu.memory_space<vmem>>, vector<16xf32>,
        %mul3A_73 = arith.mulf %get3A_72, %gather3A_50 : vector<16xf32>
        %swap3A_74 = arith.index_cast %add3A_47 : i32 to index
        %swap3A_75 = arith.constant 48 : index
        %swap3A_76 = tpu.vector_load %arg10[%swap3A_74, %swap3A_75] {strides = array<i32>} : memref<128x128xf32, #tpu.memory_space<vmem>>, vector<16xf32>,
        tpu.vector_store %arg10[%swap3A_74, %swap3A_75], %mul3A_73 {strides = array<i32>} : memref<128x128xf32, #tpu.memory_space<vmem>>, vector<16xf32>,
        %get3A_77 = arith.index_cast %add3A_47 : i32 to index
        %get3A_78 = arith.constant 64 : index
        %get3A_79 = tpu.vector_load %arg10[%get3A_77, %get3A_78] {strides = array<i32>} : memref<128x128xf32, #tpu.memory_space<vmem>>, vector<16xf32>,
        %mul3A_80 = arith.mulf %get3A_79, %gather3A_50 : vector<16xf32>
        %swap3A_81 = arith.index_cast %add3A_47 : i32 to index
        %swap3A_82 = arith.constant 64 : index
        %swap3A_83 = tpu.vector_load %arg10[%swap3A_81, %swap3A_82] {strides = array<i32>} : memref<128x128xf32, #tpu.memory_space<vmem>>, vector<16xf32>,
        tpu.vector_store %arg10[%swap3A_81, %swap3A_82], %mul3A_80 {strides = array<i32>} : memref<128x128xf32, #tpu.memory_space<vmem>>, vector<16xf32>,
        %get3A_84 = arith.index_cast %add3A_47 : i32 to index
        %get3A_85 = arith.constant 80 : index
        %get3A_86 = tpu.vector_load %arg10[%get3A_84, %get3A_85] {strides = array<i32>} : memref<128x128xf32, #tpu.memory_space<vmem>>, vector<16xf32>,
        %mul3A_87 = arith.mulf %get3A_86, %gather3A_50 : vector<16xf32>
        %swap3A_88 = arith.index_cast %add3A_47 : i32 to index
        %swap3A_89 = arith.constant 80 : index
        %swap3A_90 = tpu.vector_load %arg10[%swap3A_88, %swap3A_89] {strides = array<i32>} : memref<128x128xf32, #tpu.memory_space<vmem>>, vector<16xf32>,
        tpu.vector_store %arg10[%swap3A_88, %swap3A_89], %mul3A_87 {strides = array<i32>} : memref<128x128xf32, #tpu.memory_space<vmem>>, vector<16xf32>,
        %get3A_91 = arith.index_cast %add3A_47 : i32 to index
        %get3A_92 = arith.constant 96 : index
        %get3A_93 = tpu.vector_load %arg10[%get3A_91, %get3A_92] {strides = array<i32>} : memref<128x128xf32, #tpu.memory_space<vmem>>, vector<16xf32>,
        %mul3A_94 = arith.mulf %get3A_93, %gather3A_50 : vector<16xf32>
        %swap3A_95 = arith.index_cast %add3A_47 : i32 to index
        %swap3A_96 = arith.constant 96 : index
        %swap3A_97 = tpu.vector_load %arg10[%swap3A_95, %swap3A_96] {strides = array<i32>} : memref<128x128xf32, #tpu.memory_space<vmem>>, vector<16xf32>,
        tpu.vector_store %arg10[%swap3A_95, %swap3A_96], %mul3A_94 {strides = array<i32>} : memref<128x128xf32, #tpu.memory_space<vmem>>, vector<16xf32>,
        %get3A_98 = arith.index_cast %add3A_47 : i32 to index
        %get3A_99 = arith.constant 112 : index
        %get3A_100 = tpu.vector_load %arg10[%get3A_98, %get3A_99] {strides = array<i32>} : memref<128x128xf32, #tpu.memory_space<vmem>>, vector<16xf32>,
        %mul3A_101 = arith.mulf %get3A_100, %gather3A_50 : vector<16xf32>
        %swap3A_102 = arith.index_cast %add3A_47 : i32 to index
        %swap3A_103 = arith.constant 112 : index
        %swap3A_104 = tpu.vector_load %arg10[%swap3A_102, %swap3A_103] {strides = array<i32>} : memref<128x128xf32, #tpu.memory_space<vmem>>, vector<16xf32>,
        tpu.vector_store %arg10[%swap3A_102, %swap3A_103], %mul3A_101 {strides = array<i32>} : memref<128x128xf32, #tpu.memory_space<vmem>>, vector<16xf32>,
      }
      %scan3A_42 = arith.constant 128 : i32
      "tpu.region"() ({
        %run_scoped3A = tpu.sem_alloc : memref<!tpu.dma_semaphore, #tpu.memory_space<semaphore_mem>>
        %dma_start3A_43 = arith.constant 0 : i32
        %dma_start3A_44 = tpu.memref_slice %arg8[%add3A_27, %dma_start3A_43] : memref<79x128xi32, #tpu.memory_space<vmem>> -> memref<1x128xi32, #tpu.memory_space<vmem>>
        %dma_start3A_45 = tpu.memref_squeeze %dma_start3A_44 : memref<1x128xi32, #tpu.memory_space<vmem>> -> memref<128xi32, #tpu.memory_space<vmem>>
        %dma_start3A_46 = arith.constant 0 : i32
        %dma_start3A_47 = arith.constant 0 : i32
        %dma_start3A_48 = tpu.memref_slice %arg11[%dma_start3A_46, %dma_start3A_47] : memref<10240x128xf32, #tpu.memory_space<vmem_shared>> -> memref<10240x128xf32, #tpu.memory_space<vmem_shared>>
        tpu.enqueue_indirect_dma source(%arg10 : memref<128x128xf32, #tpu.memory_space<vmem>>) target(%dma_start3A_48 : memref<10240x128xf32, #tpu.memory_space<vmem_shared>>) offsets(%dma_start3A_45 : memref<128xi32, #tpu.memory_space<vmem>>) semaphore(%run_scoped3A : memref<!tpu.dma_semaphore, #tpu.memory_space<semaphore_mem>>) {add = true}
        %dma_wait3A_49 = arith.constant 0 : i32
        %dma_wait3A_50 = tpu.memref_slice %arg8[%add3A_27, %dma_wait3A_49] : memref<79x128xi32, #tpu.memory_space<vmem>> -> memref<1x128xi32, #tpu.memory_space<vmem>>
        %dma_wait3A_51 = tpu.memref_squeeze %dma_wait3A_50 : memref<1x128xi32, #tpu.memory_space<vmem>> -> memref<128xi32, #tpu.memory_space<vmem>>
        %dma_wait3A_52 = arith.constant 0 : i32
        %dma_wait3A_53 = arith.constant 0 : i32
        %dma_wait3A_54 = tpu.memref_slice %arg11[%dma_wait3A_52, %dma_wait3A_53] : memref<10240x128xf32, #tpu.memory_space<vmem_shared>> -> memref<10240x128xf32, #tpu.memory_space<vmem_shared>>
        tpu.wait_indirect_dma semaphore(%run_scoped3A : memref<!tpu.dma_semaphore, #tpu.memory_space<semaphore_mem>>) src(%arg10 : memref<128x128xf32, #tpu.memory_space<vmem>>) dst(%dma_wait3A_54 : memref<10240x128xf32, #tpu.memory_space<vmem_shared>>)
        tpu.yield
      }) : () -> ()
    }
    %scan3A_21 = arith.constant 79 : i32
    %barrier3A_22 = arith.constant 0 : index
    tpu.barrier barrier_id(%barrier3A_22)
    "tpu.region"() ({
      %run_scoped3A = tpu.sem_alloc : memref<!tpu.dma_semaphore, #tpu.memory_space<semaphore_mem>>
      %dma_start3A = arith.constant 0 : i32
      %dma_start3A_23 = tpu.memref_slice %arg6[%arg0, %mul3A_6, %dma_start3A] : memref<2x10240x128xf32, #tpu.memory_space<hbm>> -> memref<1x640x128xf32, #tpu.memory_space<hbm>>
      %dma_start3A_24 = tpu.memref_squeeze %dma_start3A_23 : memref<1x640x128xf32, #tpu.memory_space<hbm>> -> memref<640x128xf32, #tpu.memory_space<hbm>>
      %dma_start3A_25 = arith.constant 0 : i32
      %dma_start3A_26 = tpu.memref_slice %arg11[%mul3A_6, %dma_start3A_25] : memref<10240x128xf32, #tpu.memory_space<vmem_shared>> -> memref<640x128xf32, #tpu.memory_space<vmem_shared>>
      tpu.enqueue_dma source(%dma_start3A_26 : memref<640x128xf32, #tpu.memory_space<vmem_shared>>) target(%dma_start3A_24 : memref<640x128xf32, #tpu.memory_space<hbm>>) target_semaphore(%run_scoped3A : memref<!tpu.dma_semaphore, #tpu.memory_space<semaphore_mem>>)
      %dma_wait3A = arith.constant 0 : i32
      %dma_wait3A_27 = tpu.memref_slice %arg6[%arg0, %mul3A_6, %dma_wait3A] : memref<2x10240x128xf32, #tpu.memory_space<hbm>> -> memref<1x640x128xf32, #tpu.memory_space<hbm>>
      %dma_wait3A_28 = tpu.memref_squeeze %dma_wait3A_27 : memref<1x640x128xf32, #tpu.memory_space<hbm>> -> memref<640x128xf32, #tpu.memory_space<hbm>>
      %dma_wait3A_29 = arith.constant 0 : i32
      %dma_wait3A_30 = tpu.memref_slice %arg11[%mul3A_6, %dma_wait3A_29] : memref<10240x128xf32, #tpu.memory_space<vmem_shared>> -> memref<640x128xf32, #tpu.memory_space<vmem_shared>>
      tpu.wait_dma2 semaphore(%run_scoped3A : memref<!tpu.dma_semaphore, #tpu.memory_space<semaphore_mem>>) src(%dma_wait3A_30 : memref<640x128xf32, #tpu.memory_space<vmem_shared>>) dst(%dma_wait3A_28 : memref<640x128xf32, #tpu.memory_space<hbm>>)
      tpu.yield
    }) : () -> ()
    return
  }
}

module attributes {stable_mosaic.version = 14 : i64} {
  func.func @_dense1_body(%arg0: i32, %arg1: memref<1000x128xf32, #tpu.memory_space<vmem>>, %arg2: memref<1x128xf32, #tpu.memory_space<vmem>>, %arg3: memref<1x128xf32, #tpu.memory_space<vmem>>, %arg4: memref<128x128xf32, #tpu.memory_space<vmem>>, %arg5: memref<1x128xf32, #tpu.memory_space<vmem>>, %arg6: memref<1000x128xf32, #tpu.memory_space<vmem>>) attributes {dimension_semantics = [#tpu.dimension_semantics<arbitrary>], iteration_bounds = array<i64: 10>, scalar_prefetch = 0 : i64, scratch_operands = 0 : i64, tpu.core_type = #tpu.core_type<tc>, window_params = [{transform_indices = @transform_0, window_bounds = array<i64: 1000, 128>}, {pipeline_mode = #tpu.pipeline_mode<synchronous>, transform_indices = @transform_1, window_bounds = array<i64: 1, 128>}, {pipeline_mode = #tpu.pipeline_mode<synchronous>, transform_indices = @transform_2, window_bounds = array<i64: 1, 128>}, {pipeline_mode = #tpu.pipeline_mode<synchronous>, transform_indices = @transform_3, window_bounds = array<i64: 128, 128>}, {pipeline_mode = #tpu.pipeline_mode<synchronous>, transform_indices = @transform_4, window_bounds = array<i64: 1, 128>}, {transform_indices = @transform_5, window_bounds = array<i64: 1000, 128>}]} {
    %get3A = arith.constant 0 : index
    %get3A_0 = arith.constant 0 : index
    %get3A_1 = vector.load %arg1[%get3A, %get3A_0] : memref<1000x128xf32, #tpu.memory_space<vmem>>, vector<1000x128xf32>
    %reduce_sum3A = arith.constant dense<0.000000e+00> : vector<1000xf32>
    %reduce_sum3A_2 = vector.multi_reduction <add>, %get3A_1, %reduce_sum3A [1] : vector<1000x128xf32> to vector<1000xf32>
    %broadcast_in_dim3A = vector.shape_cast %reduce_sum3A_2 : vector<1000xf32> to vector<1000x1xf32>
    %div3A = arith.constant 1.280000e+02 : f32
    %div3A_3 = vector.broadcast %div3A : f32 to vector<1000x1xf32>
    %div3A_4 = arith.divf %broadcast_in_dim3A, %div3A_3 : vector<1000x1xf32>
    %sub3A = vector.broadcast %div3A_4 : vector<1000x1xf32> to vector<1000x128xf32>
    %sub3A_5 = arith.subf %get3A_1, %sub3A : vector<1000x128xf32>
    %integer_pow3A = arith.mulf %sub3A_5, %sub3A_5 : vector<1000x128xf32>
    %reduce_sum3A_6 = arith.constant dense<0.000000e+00> : vector<1000xf32>
    %reduce_sum3A_7 = vector.multi_reduction <add>, %integer_pow3A, %reduce_sum3A_6 [1] : vector<1000x128xf32> to vector<1000xf32>
    %broadcast_in_dim3A_8 = vector.shape_cast %reduce_sum3A_7 : vector<1000xf32> to vector<1000x1xf32>
    %div3A_9 = arith.constant 1.280000e+02 : f32
    %div3A_10 = vector.broadcast %div3A_9 : f32 to vector<1000x1xf32>
    %div3A_11 = arith.divf %broadcast_in_dim3A_8, %div3A_10 : vector<1000x1xf32>
    %sub3A_12 = vector.broadcast %div3A_4 : vector<1000x1xf32> to vector<1000x128xf32>
    %sub3A_13 = arith.subf %get3A_1, %sub3A_12 : vector<1000x128xf32>
    %add3A = arith.constant 9.99999974E-6 : f32
    %add3A_14 = vector.broadcast %add3A : f32 to vector<1000x1xf32>
    %add3A_15 = arith.addf %div3A_11, %add3A_14 : vector<1000x1xf32>
    %rsqrt3A = math.rsqrt %add3A_15 : vector<1000x1xf32>
    %mul3A = vector.broadcast %rsqrt3A : vector<1000x1xf32> to vector<1000x128xf32>
    %mul3A_16 = arith.mulf %sub3A_13, %mul3A : vector<1000x128xf32>
    %get3A_17 = arith.constant 0 : index
    %get3A_18 = arith.constant 0 : index
    %get3A_19 = vector.load %arg2[%get3A_17, %get3A_18] : memref<1x128xf32, #tpu.memory_space<vmem>>, vector<1x128xf32>
    %mul3A_20 = vector.broadcast %get3A_19 : vector<1x128xf32> to vector<1000x128xf32>
    %mul3A_21 = arith.mulf %mul3A_16, %mul3A_20 : vector<1000x128xf32>
    %get3A_22 = arith.constant 0 : index
    %get3A_23 = arith.constant 0 : index
    %get3A_24 = vector.load %arg3[%get3A_22, %get3A_23] : memref<1x128xf32, #tpu.memory_space<vmem>>, vector<1x128xf32>
    %add3A_25 = vector.broadcast %get3A_24 : vector<1x128xf32> to vector<1000x128xf32>
    %add3A_26 = arith.addf %mul3A_21, %add3A_25 : vector<1000x128xf32>
    %get3A_27 = arith.constant 0 : index
    %get3A_28 = arith.constant 0 : index
    %get3A_29 = vector.load %arg4[%get3A_27, %get3A_28] : memref<128x128xf32, #tpu.memory_space<vmem>>, vector<128x128xf32>
    %dot_general3A = arith.constant dense<0.000000e+00> : vector<1000x128xf32>
    %dot_general3A_30 = tpu.matmul %add3A_26, %get3A_29, %dot_general3A {dimension_numbers = #tpu.dot_dimension_numbers<[1], [0], [0], [1], [0, 0, 1, 1], [], []>, precision = #tpu.contract_precision<fp32>, transpose_lhs_hint = false} : vector<1000x128xf32>, vector<128x128xf32>, vector<1000x128xf32> -> vector<1000x128xf32>
    %get3A_31 = arith.constant 0 : index
    %get3A_32 = arith.constant 0 : index
    %get3A_33 = vector.load %arg5[%get3A_31, %get3A_32] : memref<1x128xf32, #tpu.memory_space<vmem>>, vector<1x128xf32>
    %add3A_34 = vector.broadcast %get3A_33 : vector<1x128xf32> to vector<1000x128xf32>
    %add3A_35 = arith.addf %dot_general3A_30, %add3A_34 : vector<1000x128xf32>
    %swap3A = arith.constant 0 : index
    %swap3A_36 = arith.constant 0 : index
    %swap3A_37 = vector.load %arg6[%swap3A, %swap3A_36] : memref<1000x128xf32, #tpu.memory_space<vmem>>, vector<1000x128xf32>
    tpu.vector_store %arg6[%swap3A, %swap3A_36], %add3A_35 {strides = array<i32>} : memref<1000x128xf32, #tpu.memory_space<vmem>>, vector<1000x128xf32>,
    return
  }
  func.func @transform_0(%arg0: i32) -> (i32, i32) {
    %c0_i32 = arith.constant 0 : i32
    %c0_i32_0 = arith.constant 0 : i32
    return %arg0, %c0_i32 : i32, i32
  }
  func.func @transform_1(%arg0: i32) -> (i32, i32) {
    %c0_i32 = arith.constant 0 : i32
    %c0_i32_0 = arith.constant 0 : i32
    %c0_i32_1 = arith.constant 0 : i32
    return %c0_i32, %c0_i32_0 : i32, i32
  }
  func.func @transform_2(%arg0: i32) -> (i32, i32) {
    %c0_i32 = arith.constant 0 : i32
    %c0_i32_0 = arith.constant 0 : i32
    %c0_i32_1 = arith.constant 0 : i32
    return %c0_i32, %c0_i32_0 : i32, i32
  }
  func.func @transform_3(%arg0: i32) -> (i32, i32) {
    %c0_i32 = arith.constant 0 : i32
    %c0_i32_0 = arith.constant 0 : i32
    %c0_i32_1 = arith.constant 0 : i32
    return %c0_i32, %c0_i32_0 : i32, i32
  }
  func.func @transform_4(%arg0: i32) -> (i32, i32) {
    %c0_i32 = arith.constant 0 : i32
    %c0_i32_0 = arith.constant 0 : i32
    %c0_i32_1 = arith.constant 0 : i32
    return %c0_i32, %c0_i32_0 : i32, i32
  }
  func.func @transform_5(%arg0: i32) -> (i32, i32) {
    %c0_i32 = arith.constant 0 : i32
    %c0_i32_0 = arith.constant 0 : i32
    return %arg0, %c0_i32 : i32, i32
  }
}

module attributes {stable_mosaic.version = 14 : i64} {
  func.func @_dense2_body(%arg0: i32, %arg1: memref<2x1000x128xf32, #tpu.memory_space<vmem>>, %arg2: memref<1000x128xf32, #tpu.memory_space<vmem>>, %arg3: memref<128x128xf32, #tpu.memory_space<vmem>>, %arg4: memref<1x128xf32, #tpu.memory_space<vmem>>, %arg5: memref<128x128xf32, #tpu.memory_space<vmem>>, %arg6: memref<128x128xf32, #tpu.memory_space<vmem>>, %arg7: memref<1000x128xf32, #tpu.memory_space<vmem>>) attributes {dimension_semantics = [#tpu.dimension_semantics<arbitrary>], iteration_bounds = array<i64: 10>, scalar_prefetch = 0 : i64, scratch_operands = 0 : i64, tpu.core_type = #tpu.core_type<tc>, window_params = [{transform_indices = @transform_0, window_bounds = array<i64: 2, 1000, 128>}, {transform_indices = @transform_1, window_bounds = array<i64: 1000, 128>}, {pipeline_mode = #tpu.pipeline_mode<synchronous>, transform_indices = @transform_2, window_bounds = array<i64: 128, 128>}, {pipeline_mode = #tpu.pipeline_mode<synchronous>, transform_indices = @transform_3, window_bounds = array<i64: 1, 128>}, {pipeline_mode = #tpu.pipeline_mode<synchronous>, transform_indices = @transform_4, window_bounds = array<i64: 128, 128>}, {pipeline_mode = #tpu.pipeline_mode<synchronous>, transform_indices = @transform_5, window_bounds = array<i64: 128, 128>}, {transform_indices = @transform_6, window_bounds = array<i64: 1000, 128>}]} {
    %get3A = arith.constant 0 : index
    %get3A_0 = arith.constant 0 : index
    %get3A_1 = arith.constant 0 : index
    %get3A_2 = vector.load %arg1[%get3A, %get3A_0, %get3A_1] : memref<2x1000x128xf32, #tpu.memory_space<vmem>>, vector<1x1000x128xf32>
    %get3A_3 = vector.shape_cast %get3A_2 : vector<1x1000x128xf32> to vector<1000x128xf32>
    %get3A_4 = arith.constant 1 : index
    %get3A_5 = arith.constant 0 : index
    %get3A_6 = arith.constant 0 : index
    %get3A_7 = vector.load %arg1[%get3A_4, %get3A_5, %get3A_6] : memref<2x1000x128xf32, #tpu.memory_space<vmem>>, vector<1x1000x128xf32>
    %get3A_8 = vector.shape_cast %get3A_7 : vector<1x1000x128xf32> to vector<1000x128xf32>
    %add3A = arith.addf %get3A_3, %get3A_8 : vector<1000x128xf32>
    %get3A_9 = arith.constant 0 : index
    %get3A_10 = arith.constant 0 : index
    %get3A_11 = vector.load %arg3[%get3A_9, %get3A_10] : memref<128x128xf32, #tpu.memory_space<vmem>>, vector<128x128xf32>
    %dot_general3A = arith.constant dense<0.000000e+00> : vector<1000x128xf32>
    %dot_general3A_12 = tpu.matmul %add3A, %get3A_11, %dot_general3A {dimension_numbers = #tpu.dot_dimension_numbers<[1], [0], [0], [1], [0, 0, 1, 1], [], []>, precision = #tpu.contract_precision<fp32>, transpose_lhs_hint = false} : vector<1000x128xf32>, vector<128x128xf32>, vector<1000x128xf32> -> vector<1000x128xf32>
    %get3A_13 = arith.constant 0 : index
    %get3A_14 = arith.constant 0 : index
    %get3A_15 = vector.load %arg4[%get3A_13, %get3A_14] : memref<1x128xf32, #tpu.memory_space<vmem>>, vector<1x128xf32>
    %add3A_16 = vector.broadcast %get3A_15 : vector<1x128xf32> to vector<1000x128xf32>
    %add3A_17 = arith.addf %dot_general3A_12, %add3A_16 : vector<1000x128xf32>
    %get3A_18 = arith.constant 0 : index
    %get3A_19 = arith.constant 0 : index
    %get3A_20 = vector.load %arg2[%get3A_18, %get3A_19] : memref<1000x128xf32, #tpu.memory_space<vmem>>, vector<1000x128xf32>
    %get3A_21 = arith.constant 0 : index
    %get3A_22 = arith.constant 0 : index
    %get3A_23 = vector.load %arg5[%get3A_21, %get3A_22] : memref<128x128xf32, #tpu.memory_space<vmem>>, vector<128x128xf32>
    %dot_general3A_24 = arith.constant dense<0.000000e+00> : vector<1000x128xf32>
    %dot_general3A_25 = tpu.matmul %get3A_20, %get3A_23, %dot_general3A_24 {dimension_numbers = #tpu.dot_dimension_numbers<[1], [0], [0], [1], [0, 0, 1, 1], [], []>, precision = #tpu.contract_precision<fp32>, transpose_lhs_hint = false} : vector<1000x128xf32>, vector<128x128xf32>, vector<1000x128xf32> -> vector<1000x128xf32>
    %add3A_26 = arith.addf %add3A_17, %dot_general3A_25 : vector<1000x128xf32>
    %ge3A = arith.constant 0.000000e+00 : f32
    %ge3A_27 = vector.broadcast %ge3A : f32 to vector<1000x128xf32>
    %ge3A_28 = arith.cmpf oge, %add3A_26, %ge3A_27 : vector<1000x128xf32>
    %mul3A = arith.constant 0.00999999977 : f32
    %mul3A_29 = vector.broadcast %mul3A : f32 to vector<1000x128xf32>
    %mul3A_30 = arith.mulf %mul3A_29, %add3A_26 : vector<1000x128xf32>
    %select_n3A = arith.select %ge3A_28, %add3A_26, %mul3A_30 : vector<1000x128xi1>, vector<1000x128xf32>
    %get3A_31 = arith.constant 0 : index
    %get3A_32 = arith.constant 0 : index
    %get3A_33 = vector.load %arg6[%get3A_31, %get3A_32] : memref<128x128xf32, #tpu.memory_space<vmem>>, vector<128x128xf32>
    %dot_general3A_34 = arith.constant dense<0.000000e+00> : vector<1000x128xf32>
    %dot_general3A_35 = tpu.matmul %select_n3A, %get3A_33, %dot_general3A_34 {dimension_numbers = #tpu.dot_dimension_numbers<[1], [0], [0], [1], [0, 0, 1, 1], [], []>, precision = #tpu.contract_precision<fp32>, transpose_lhs_hint = false} : vector<1000x128xf32>, vector<128x128xf32>, vector<1000x128xf32> -> vector<1000x128xf32>
    %swap3A = arith.constant 0 : index
    %swap3A_36 = arith.constant 0 : index
    %swap3A_37 = vector.load %arg7[%swap3A, %swap3A_36] : memref<1000x128xf32, #tpu.memory_space<vmem>>, vector<1000x128xf32>
    tpu.vector_store %arg7[%swap3A, %swap3A_36], %dot_general3A_35 {strides = array<i32>} : memref<1000x128xf32, #tpu.memory_space<vmem>>, vector<1000x128xf32>,
    return
  }
  func.func @transform_0(%arg0: i32) -> (i32, i32, i32) {
    %c0_i32 = arith.constant 0 : i32
    %c0_i32_0 = arith.constant 0 : i32
    %c0_i32_1 = arith.constant 0 : i32
    return %c0_i32, %arg0, %c0_i32_0 : i32, i32, i32
  }
  func.func @transform_1(%arg0: i32) -> (i32, i32) {
    %c0_i32 = arith.constant 0 : i32
    %c0_i32_0 = arith.constant 0 : i32
    return %arg0, %c0_i32 : i32, i32
  }
  func.func @transform_2(%arg0: i32) -> (i32, i32) {
    %c0_i32 = arith.constant 0 : i32
    %c0_i32_0 = arith.constant 0 : i32
    %c0_i32_1 = arith.constant 0 : i32
    return %c0_i32, %c0_i32_0 : i32, i32
  }
  func.func @transform_3(%arg0: i32) -> (i32, i32) {
    %c0_i32 = arith.constant 0 : i32
    %c0_i32_0 = arith.constant 0 : i32
    %c0_i32_1 = arith.constant 0 : i32
    return %c0_i32, %c0_i32_0 : i32, i32
  }
  func.func @transform_4(%arg0: i32) -> (i32, i32) {
    %c0_i32 = arith.constant 0 : i32
    %c0_i32_0 = arith.constant 0 : i32
    %c0_i32_1 = arith.constant 0 : i32
    return %c0_i32, %c0_i32_0 : i32, i32
  }
  func.func @transform_5(%arg0: i32) -> (i32, i32) {
    %c0_i32 = arith.constant 0 : i32
    %c0_i32_0 = arith.constant 0 : i32
    %c0_i32_1 = arith.constant 0 : i32
    return %c0_i32, %c0_i32_0 : i32, i32
  }
  func.func @transform_6(%arg0: i32) -> (i32, i32) {
    %c0_i32 = arith.constant 0 : i32
    %c0_i32_0 = arith.constant 0 : i32
    return %arg0, %c0_i32 : i32, i32
  }
}

module attributes {stable_mosaic.version = 14 : i64} {
  func.func @_dense3_body(%arg0: i32, %arg1: memref<2x1000x128xf32, #tpu.memory_space<vmem>>, %arg2: memref<1000x128xf32, #tpu.memory_space<vmem>>, %arg3: memref<1x64xf32, #tpu.memory_space<vmem>>, %arg4: memref<1x64xf32, #tpu.memory_space<vmem>>, %arg5: memref<1x64xf32, #tpu.memory_space<vmem>>, %arg6: memref<64x2xf32, #tpu.memory_space<vmem>>, %arg7: memref<1x2xf32, #tpu.memory_space<vmem>>, %arg8: memref<1000x2xf32, #tpu.memory_space<vmem>>) attributes {dimension_semantics = [#tpu.dimension_semantics<arbitrary>], iteration_bounds = array<i64: 10>, scalar_prefetch = 0 : i64, scratch_operands = 0 : i64, tpu.core_type = #tpu.core_type<tc>, window_params = [{transform_indices = @transform_0, window_bounds = array<i64: 2, 1000, 128>}, {transform_indices = @transform_1, window_bounds = array<i64: 1000, 128>}, {pipeline_mode = #tpu.pipeline_mode<synchronous>, transform_indices = @transform_2, window_bounds = array<i64: 1, 64>}, {pipeline_mode = #tpu.pipeline_mode<synchronous>, transform_indices = @transform_3, window_bounds = array<i64: 1, 64>}, {pipeline_mode = #tpu.pipeline_mode<synchronous>, transform_indices = @transform_4, window_bounds = array<i64: 1, 64>}, {pipeline_mode = #tpu.pipeline_mode<synchronous>, transform_indices = @transform_5, window_bounds = array<i64: 64, 2>}, {pipeline_mode = #tpu.pipeline_mode<synchronous>, transform_indices = @transform_6, window_bounds = array<i64: 1, 2>}, {transform_indices = @transform_7, window_bounds = array<i64: 1000, 2>}]} {
    %get3A = arith.constant 0 : index
    %get3A_0 = arith.constant 0 : index
    %get3A_1 = arith.constant 0 : index
    %get3A_2 = vector.load %arg1[%get3A, %get3A_0, %get3A_1] : memref<2x1000x128xf32, #tpu.memory_space<vmem>>, vector<1x1000x64xf32>
    %get3A_3 = vector.shape_cast %get3A_2 : vector<1x1000x64xf32> to vector<1000x64xf32>
    %get3A_4 = arith.constant 1 : index
    %get3A_5 = arith.constant 0 : index
    %get3A_6 = arith.constant 0 : index
    %get3A_7 = vector.load %arg1[%get3A_4, %get3A_5, %get3A_6] : memref<2x1000x128xf32, #tpu.memory_space<vmem>>, vector<1x1000x64xf32>
    %get3A_8 = vector.shape_cast %get3A_7 : vector<1x1000x64xf32> to vector<1000x64xf32>
    %add3A = arith.addf %get3A_3, %get3A_8 : vector<1000x64xf32>
    %get3A_9 = arith.constant 0 : index
    %get3A_10 = arith.constant 0 : index
    %get3A_11 = vector.load %arg3[%get3A_9, %get3A_10] : memref<1x64xf32, #tpu.memory_space<vmem>>, vector<1x64xf32>
    %add3A_12 = vector.broadcast %get3A_11 : vector<1x64xf32> to vector<1000x64xf32>
    %add3A_13 = arith.addf %add3A, %add3A_12 : vector<1000x64xf32>
    %get3A_14 = arith.constant 0 : index
    %get3A_15 = arith.constant 64 : index
    %get3A_16 = vector.load %arg2[%get3A_14, %get3A_15] : memref<1000x128xf32, #tpu.memory_space<vmem>>, vector<1000x64xf32>
    %add3A_17 = arith.addf %add3A_13, %get3A_16 : vector<1000x64xf32>
    %ge3A = arith.constant 0.000000e+00 : f32
    %ge3A_18 = vector.broadcast %ge3A : f32 to vector<1000x64xf32>
    %ge3A_19 = arith.cmpf oge, %add3A_17, %ge3A_18 : vector<1000x64xf32>
    %mul3A = arith.constant 0.00999999977 : f32
    %mul3A_20 = vector.broadcast %mul3A : f32 to vector<1000x64xf32>
    %mul3A_21 = arith.mulf %mul3A_20, %add3A_17 : vector<1000x64xf32>
    %select_n3A = arith.select %ge3A_19, %add3A_17, %mul3A_21 : vector<1000x64xi1>, vector<1000x64xf32>
    %reduce_sum3A = arith.constant dense<0.000000e+00> : vector<1000xf32>
    %reduce_sum3A_22 = vector.multi_reduction <add>, %select_n3A, %reduce_sum3A [1] : vector<1000x64xf32> to vector<1000xf32>
    %broadcast_in_dim3A = vector.shape_cast %reduce_sum3A_22 : vector<1000xf32> to vector<1000x1xf32>
    %div3A = arith.constant 6.400000e+01 : f32
    %div3A_23 = vector.broadcast %div3A : f32 to vector<1000x1xf32>
    %div3A_24 = arith.divf %broadcast_in_dim3A, %div3A_23 : vector<1000x1xf32>
    %sub3A = vector.broadcast %div3A_24 : vector<1000x1xf32> to vector<1000x64xf32>
    %sub3A_25 = arith.subf %select_n3A, %sub3A : vector<1000x64xf32>
    %integer_pow3A = arith.mulf %sub3A_25, %sub3A_25 : vector<1000x64xf32>
    %reduce_sum3A_26 = arith.constant dense<0.000000e+00> : vector<1000xf32>
    %reduce_sum3A_27 = vector.multi_reduction <add>, %integer_pow3A, %reduce_sum3A_26 [1] : vector<1000x64xf32> to vector<1000xf32>
    %broadcast_in_dim3A_28 = vector.shape_cast %reduce_sum3A_27 : vector<1000xf32> to vector<1000x1xf32>
    %div3A_29 = arith.constant 6.400000e+01 : f32
    %div3A_30 = vector.broadcast %div3A_29 : f32 to vector<1000x1xf32>
    %div3A_31 = arith.divf %broadcast_in_dim3A_28, %div3A_30 : vector<1000x1xf32>
    %sub3A_32 = vector.broadcast %div3A_24 : vector<1000x1xf32> to vector<1000x64xf32>
    %sub3A_33 = arith.subf %select_n3A, %sub3A_32 : vector<1000x64xf32>
    %add3A_34 = arith.constant 9.99999974E-6 : f32
    %add3A_35 = vector.broadcast %add3A_34 : f32 to vector<1000x1xf32>
    %add3A_36 = arith.addf %div3A_31, %add3A_35 : vector<1000x1xf32>
    %rsqrt3A = math.rsqrt %add3A_36 : vector<1000x1xf32>
    %mul3A_37 = vector.broadcast %rsqrt3A : vector<1000x1xf32> to vector<1000x64xf32>
    %mul3A_38 = arith.mulf %sub3A_33, %mul3A_37 : vector<1000x64xf32>
    %get3A_39 = arith.constant 0 : index
    %get3A_40 = arith.constant 0 : index
    %get3A_41 = vector.load %arg4[%get3A_39, %get3A_40] : memref<1x64xf32, #tpu.memory_space<vmem>>, vector<1x64xf32>
    %mul3A_42 = vector.broadcast %get3A_41 : vector<1x64xf32> to vector<1000x64xf32>
    %mul3A_43 = arith.mulf %mul3A_38, %mul3A_42 : vector<1000x64xf32>
    %get3A_44 = arith.constant 0 : index
    %get3A_45 = arith.constant 0 : index
    %get3A_46 = vector.load %arg5[%get3A_44, %get3A_45] : memref<1x64xf32, #tpu.memory_space<vmem>>, vector<1x64xf32>
    %add3A_47 = vector.broadcast %get3A_46 : vector<1x64xf32> to vector<1000x64xf32>
    %add3A_48 = arith.addf %mul3A_43, %add3A_47 : vector<1000x64xf32>
    %get3A_49 = arith.constant 0 : index
    %get3A_50 = arith.constant 0 : index
    %get3A_51 = vector.load %arg6[%get3A_49, %get3A_50] : memref<64x2xf32, #tpu.memory_space<vmem>>, vector<64x2xf32>
    %dot_general3A = arith.constant dense<0.000000e+00> : vector<1000x2xf32>
    %dot_general3A_52 = tpu.matmul %add3A_48, %get3A_51, %dot_general3A {dimension_numbers = #tpu.dot_dimension_numbers<[1], [0], [0], [1], [0, 0, 1, 1], [], []>, precision = #tpu.contract_precision<fp32>, transpose_lhs_hint = false} : vector<1000x64xf32>, vector<64x2xf32>, vector<1000x2xf32> -> vector<1000x2xf32>
    %get3A_53 = arith.constant 0 : index
    %get3A_54 = arith.constant 0 : index
    %get3A_55 = vector.load %arg7[%get3A_53, %get3A_54] : memref<1x2xf32, #tpu.memory_space<vmem>>, vector<1x2xf32>
    %add3A_56 = vector.broadcast %get3A_55 : vector<1x2xf32> to vector<1000x2xf32>
    %add3A_57 = arith.addf %dot_general3A_52, %add3A_56 : vector<1000x2xf32>
    %swap3A = arith.constant 0 : index
    %swap3A_58 = arith.constant 0 : index
    %swap3A_59 = vector.load %arg8[%swap3A, %swap3A_58] : memref<1000x2xf32, #tpu.memory_space<vmem>>, vector<1000x2xf32>
    tpu.vector_store %arg8[%swap3A, %swap3A_58], %add3A_57 {strides = array<i32>} : memref<1000x2xf32, #tpu.memory_space<vmem>>, vector<1000x2xf32>,
    return
  }
  func.func @transform_0(%arg0: i32) -> (i32, i32, i32) {
    %c0_i32 = arith.constant 0 : i32
    %c0_i32_0 = arith.constant 0 : i32
    %c0_i32_1 = arith.constant 0 : i32
    return %c0_i32, %arg0, %c0_i32_0 : i32, i32, i32
  }
  func.func @transform_1(%arg0: i32) -> (i32, i32) {
    %c0_i32 = arith.constant 0 : i32
    %c0_i32_0 = arith.constant 0 : i32
    return %arg0, %c0_i32 : i32, i32
  }
  func.func @transform_2(%arg0: i32) -> (i32, i32) {
    %c0_i32 = arith.constant 0 : i32
    %c0_i32_0 = arith.constant 0 : i32
    %c0_i32_1 = arith.constant 0 : i32
    return %c0_i32, %c0_i32_0 : i32, i32
  }
  func.func @transform_3(%arg0: i32) -> (i32, i32) {
    %c0_i32 = arith.constant 0 : i32
    %c0_i32_0 = arith.constant 0 : i32
    %c0_i32_1 = arith.constant 0 : i32
    return %c0_i32, %c0_i32_0 : i32, i32
  }
  func.func @transform_4(%arg0: i32) -> (i32, i32) {
    %c0_i32 = arith.constant 0 : i32
    %c0_i32_0 = arith.constant 0 : i32
    %c0_i32_1 = arith.constant 0 : i32
    return %c0_i32, %c0_i32_0 : i32, i32
  }
  func.func @transform_5(%arg0: i32) -> (i32, i32) {
    %c0_i32 = arith.constant 0 : i32
    %c0_i32_0 = arith.constant 0 : i32
    %c0_i32_1 = arith.constant 0 : i32
    return %c0_i32, %c0_i32_0 : i32, i32
  }
  func.func @transform_6(%arg0: i32) -> (i32, i32) {
    %c0_i32 = arith.constant 0 : i32
    %c0_i32_0 = arith.constant 0 : i32
    %c0_i32_1 = arith.constant 0 : i32
    return %c0_i32, %c0_i32_0 : i32, i32
  }
  func.func @transform_7(%arg0: i32) -> (i32, i32) {
    %c0_i32 = arith.constant 0 : i32
    %c0_i32_0 = arith.constant 0 : i32
    return %arg0, %c0_i32 : i32, i32
  }
}

</mosaic_0001>

<sc_bundles>
// kernel: kernel.10.cloned.1.call-start
scs
__scs_entry_jumppad:
0x0: {  	(pc) =	sbr.rel $0x88, $3  }
0x1: {  	(tag) =	ssettag $0x0;
	lr =	simm.s32 $0x1  }
0x2: {  	[smem:$0x3F90] =	sst lr;
	_ =	strace $0xD0000000  }
0x3: {  	_ = 	snop  }
0x4: {  	_ = 	snop  }
0x5: {  	_ = 	snop  }
0x6: {  	_ = 	snop  }
0x7: {  	_ = 	snop  }
__scs_overlays_trampoline_lowered:
0x8: {  	[smem:$0x3F9F] =	sst s0  }
0x9: {  	[smem:$0x3FA0] =	sst s1  }
0xa: {  	[smem:$0x3FA1] =	sst s2  }
0xb: {  	[smem:$0x3FA2] =	sst s3  }
0xc: {  	[smem:$0x3FA3] =	sst s4  }
0xd: {  	[smem:$0x3FA4] =	sst s5  }
0xe: {  	[smem:$0x3FA5] =	sst s6  }
0xf: {  	[smem:$0x3FA6] =	sst s7  }
0x10: {  	[smem:$0x3FA7] =	sst s8  }
0x11: {  	[smem:$0x3FA8] =	sst s9;
	s0 =	simm.s32 @!p0 $0x0  }
0x12: {  	s1 =	sld [smem:$0x3F8E];
	s0 =	simm.s32 @p0 $0x1  }
0x13: {  	[smem:$0x3FA9] =	sst s0;
	s0 =	simm.s32 @!p1 $0x0  }
0x14: {  	s2 =	sld [smem:$0x3F8D];
	s0 =	simm.s32 @p1 $0x1  }
0x15: {  	[smem:$0x3FAA] =	sst s0;
	s0 =	simm.s32 @!p2 $0x0  }
0x16: {  	s3 =	sld [smem:$0x3FDB];
	s0 =	simm.s32 @p2 $0x1  }
0x17: {  	s4 =	simm.s32 $0x1BF5;
	[smem:$0x3FAC] =	sst s0  }
0x18: {  	s0 =	sld [smem:$0x3F8F];
	_ =	swait.ge [sflag:s4], $0x0  }
0x19: {  	s7 =	sld [smem:$0x3F90]  }
0x1a: {  	s8 =	sadd.s32 $0xFFFFE003, lr  }
0x1b: {  	s9 =	sadd.s32 $0xFFFFFEF7, lr;
	s5 =	simm.s32 $0xFFFFFFFF;
	p2 =	slt.u32 s8, $0xFFFFF086  }
0x1c: {  	p1 =	slt.u32 s9, $0xF7A;
	s5 =	simm.s32 @!p2 $0x0  }
0x1d: {  	s5 =	simm.s32 @p1 $0x1;
	p0 =	seq.s32 s7, s2  }
0x1e: {  	s7 =	smul.u32 @!p0 $0xF7A, s2;
	p2 =	seq.s32 @!p0 s5, $0x0  }
0x1f: {  	s9 =	smul.u32 $0xF7A, s1;
	s8 =	simm.s32 @!p0 $0x1BF5;
	p2 =	por !p2, p0  }
0x20: {  	[sflag:s8] =	ssyncset.s32 @!p0 $0xFFFFF086;
	s6 =	sadd.s32 @!p0 s3, s7;
	s7 =	simm.s32 @!p0 $0x108  }
0x21: {  	s3 =	sadd.s32 s3, s9;
	s6 =	sadd.s32 @!p0 $0x88, s6;
	s7 =	simm.s32 @p2 $0x1082  }
0x22: {  	[simem:s7], [sflag:s8] =	dma.local @!p0 [hbm:s6], $0xF7A  }
0x23: {  	s9 =	sor.u32 $0xD0000000, s2;
	s6 =	simm.s32 $0x108;
	_ =	swait.ge @!p0 [sflag:s8], $0x0  }
0x24: {  	s3 =	sadd.s32 $0x88, s3;
	s6 =	simm.s32 @!p1 $0x1082;
	[sflag:s4] =	ssyncset.s32 $0xFFFFF086  }
0x25: {  	[simem:s6], [sflag:s4] =	dma.local [hbm:s3], $0xF7A  }
0x26: {  	[smem:$0x3F90] =	sst s1;
	(tag) =	ssettag s2;
	_ =	strace s9  }
0x27: {  	s1 =	sld [smem:$0x3FA0]  }
0x28: {  	s2 =	sld [smem:$0x3FA1]  }
0x29: {  	s4 =	sld [smem:$0x3FA3]  }
0x2a: {  	p0 =	seq.s32 s5, $0x0;
	s5 =	sld [smem:$0x3FA4]  }
0x2b: {  	s6 =	sld [smem:$0x3FA5]  }
0x2c: {  	s7 =	sld [smem:$0x3FA6]  }
0x2d: {  	s3 =	simm.s32 $0x108;
	s8 =	sld [smem:$0x3FA7]  }
0x2e: {  	s3 =	simm.s32 @!p0 $0x1082;
	s9 =	sld [smem:$0x3FA8]  }
0x2f: {  	lr =	sadd.s32 s0, s3;
	s0 =	sld [smem:$0x3F9F]  }
0x30: {  	s3 =	sld [smem:$0x3FA2]  }
0x31: {  	[smem:$0x3FAB] =	sst s10  }
0x32: {  	s10 =	sld [smem:$0x3FA9];
	_ =	sdelay $0x3  }
0x33: {  	p0 =	seq.s32 s10, $0x1;
	s10 =	sld [smem:$0x3FAB];
	_ =	sdelay $0x3  }
0x34: {  	[smem:$0x3FAB] =	sst s10  }
0x35: {  	s10 =	sld [smem:$0x3FAA];
	_ =	sdelay $0x3  }
0x36: {  	p1 =	seq.s32 s10, $0x1;
	s10 =	sld [smem:$0x3FAB];
	_ =	sdelay $0x3  }
0x37: {  	[smem:$0x3FAB] =	sst s10  }
0x38: {  	s10 =	sld [smem:$0x3FAC]  }
0x39: {  	_ = 	snop;
	(pc) =	sbr.ind lr, $3  }
0x3a: {  	_ = 	snop  }
0x3b: {  	_ = 	snop  }
0x3c: {  	p2 =	seq.s32 s10, $0x1;
	s10 =	sld [smem:$0x3FAB]  }
0x3d: {  	_ =	shalt  }
0x3e: {  	_ =	shalt  }
0x3f: {  	_ =	shalt  }
0x40: {  	_ =	shalt  }
0x41: {  	_ =	shalt  }
0x42: {  	_ =	shalt  }
0x43: {  	_ =	shalt  }
0x44: {  	_ =	shalt  }
0x45: {  	_ =	shalt  }
0x46: {  	_ =	shalt  }
0x47: {  	_ =	shalt  }
0x48: {  	_ =	shalt  }
0x49: {  	_ =	shalt  }
0x4a: {  	_ =	shalt  }
0x4b: {  	_ =	shalt  }
0x4c: {  	_ =	shalt  }
0x4d: {  	_ =	shalt  }
0x4e: {  	_ =	shalt  }
0x4f: {  	_ =	shalt  }
0x50: {  	_ =	shalt  }
0x51: {  	_ =	shalt  }
0x52: {  	_ =	shalt  }
0x53: {  	_ =	shalt  }
0x54: {  	_ =	shalt  }
0x55: {  	_ =	shalt  }
0x56: {  	_ =	shalt  }
0x57: {  	_ =	shalt  }
0x58: {  	_ =	shalt  }
0x59: {  	_ =	shalt  }
0x5a: {  	_ =	shalt  }
0x5b: {  	_ =	shalt  }
0x5c: {  	_ =	shalt  }
0x5d: {  	_ =	shalt  }
0x5e: {  	_ =	shalt  }
0x5f: {  	_ =	shalt  }
0x60: {  	_ =	shalt  }
0x61: {  	_ =	shalt  }
0x62: {  	_ =	shalt  }
0x63: {  	_ =	shalt  }
0x64: {  	_ =	shalt  }
0x65: {  	_ =	shalt  }
0x66: {  	_ =	shalt  }
0x67: {  	_ =	shalt  }
0x68: {  	_ =	shalt  }
0x69: {  	_ =	shalt  }
0x6a: {  	_ =	shalt  }
0x6b: {  	_ =	shalt  }
0x6c: {  	_ =	shalt  }
0x6d: {  	_ =	shalt  }
0x6e: {  	_ =	shalt  }
0x6f: {  	_ =	shalt  }
0x70: {  	_ =	shalt  }
0x71: {  	_ =	shalt  }
0x72: {  	_ =	shalt  }
0x73: {  	_ =	shalt  }
0x74: {  	_ =	shalt  }
0x75: {  	_ =	shalt  }
0x76: {  	_ =	shalt  }
0x77: {  	_ =	shalt  }
0x78: {  	_ =	shalt  }
0x79: {  	_ =	shalt  }
0x7a: {  	_ =	shalt  }
0x7b: {  	_ =	shalt  }
0x7c: {  	_ =	shalt  }
0x7d: {  	_ =	shalt  }
0x7e: {  	_ =	shalt  }
0x7f: {  	_ =	shalt  }
0x80: {  	_ =	shalt  }
0x81: {  	_ =	shalt  }
0x82: {  	_ =	shalt  }
0x83: {  	_ =	shalt  }
0x84: {  	_ =	shalt  }
0x85: {  	_ =	shalt  }
0x86: {  	_ =	shalt  }
0x87: {  	_ =	shalt  }
.Lfunc_end0:
.L_simem_size_0:
called_computation.1_lowered:
.L_overlay_start_0:
0x88: {  	s2 =	sld [smem:$0x3FD9]  }
0x89: {  	s3 =	sld [smem:$0x3FFE];
	_ =	sdelay $0x1  }
0x8a: {  	s1 =	srdreg.scid  }
0x8b: {  	s0 =	sand.u32 $0x1, s1  }
0x8c: {  	s16 =	sshll.u32 s0, $0xA;
	s2 =	sadd.s32 s3, s2  }
0x8d: {  	s2 =	sadd.s32 s2, s16  }
0x8e: {  	[smem:$0x3FB7] =	sst s2  }
0x8f: {  	_ = 	snop  }
0x90: {  	(tm) =	ssettm $0x1  }
0x91: {  	s17 =	sld [smem:$0x3FFB];
	_ =	sdelay $0x3  }
0x92: {  	_ =	strace s17  }
0x93: {  	s2 =	sld [smem:$0x3FFC];
	_ =	sdelay $0x3  }
0x94: {  	_ =	strace s2  }
0x95: {  	s2 =	sld [smem:$0x3FFD];
	_ =	sdelay $0x3  }
0x96: {  	_ =	strace s2  }
0x97: {  	_ =	strace $0x8FFFFFFF  }
0x98: {  	s18 =	sld [smem:$0x3FDB];
	_ =	sdelay $0x1  }
0x99: {  	s19 =	simm.s32 $_scs_section_size  }
0x9a: {  	s4 =	simm.s32 $_size__tile_overlayer_lowered;
	s5 =	simm.s32 $_tile_overlayer_lowered  }
0x9b: {  	s22 =	simm.s32 $0x1BFF;
	s21 =	sshll.u32 s5, $0x1;
	s2 =	sadd.s32 s19, s18  }
0x9c: {  	s6 =	simm.s32 $0x0;
	s20 =	sshll.u32 s4, $0x1;
	s4 =	sadd.s32 s21, s2  }
0x9d: {  	[timem:s6], [sflag:s22] =	dma.local [hbm:s4], s20  }
0x9e: {  	_ =	swait.ge [sflag:s22], s20  }
0x9f: {  	s3 =	ssub.s32 $0x0, s20;
	[sflag:s22] =	ssyncset.done $0x0  }
0xa0: {  	[sflag:s22] =	ssyncadd.s32 s3;
	_ =	sdelay $0x1  }
0xa1: {  	s23 =	simm.s32 $0x1B8B  }
0xa2: {  	_ =	swait.ge [sflag:s23], $0x1  }
0xa3: {  	[sflag:s23] =	ssyncset.done $0x0  }
0xa4: {  	s25 =	simm.s32 $0x1B8E;
	s24 =	sld [smem:$0x3FFE];
	[sflag:s23] =	ssyncadd.s32 $0xFFFFFFFF  }
0xa5: {  	s26 =	simm.s32 $execute0_lowered;
	[smem:$0x3FD2] =	sst s25  }
0xa6: {  	s4 =	sshll.u32 s26, $0x1;
	_ =	strace $0x80000049;
	[dreg:$0x1] =	wrdreg $0xFFFFFFFF  }
0xa7: {  	s28 =	simm.s32 $_size_execute0_lowered;
	s2 =	sadd.s32 s2, s4;
	[dreg:$0x0] =	wrdreg $0x0  }
0xa8: {  	s4 =	sshll.u32 s28, $0x1;
	[dreg:$0x2] =	wrdreg s2  }
0xa9: {  	[dreg:$0x3] =	wrdreg s4  }
0xaa: {  	[dreg:$0x4] =	wrdreg $0xC0  }
0xab: {  	_ =	task [dreg:s6], $0x5FFFF  }
0xac: {  	[dreg:$0x1] =	wrdreg $0xFFFFFFFF  }
0xad: {  	[dreg:$0x0] =	wrdreg $0x60  }
0xae: {  	[dreg:$0x2] =	wrdreg s24  }
0xaf: {  	[dreg:$0x3] =	wrdreg $0xB8000  }
0xb0: {  	[dreg:$0x4] =	wrdreg $0x9  }
0xb1: {  	_ =	task.clear_ibuf [dreg:s6], $0x5FFFF;
	_ =	strace $0x90000049  }
0xb2: {  	s29 =	simm.s32 $0x9;
	_ =	strace $0x8000004B  }
0xb3: {  	_ =	swait.ge [sflag:s29], $0x1  }
0xb4: {  	[sflag:s29] =	ssyncadd.s32 $0xFFFFFFFF  }
0xb5: {  	_ =	strace $0x9000004B  }
0xb6: {  	_ =	sfence  }
0xb7: {  	s30 =	sld [smem:$0x0];
	_ =	sdelay $0x2  }
0xb8: {  	s31 =	sshll.u32 s1, $0xD;
	s1 =	sshrl.u32 s1, $0x2  }
0xb9: {  	s3 =	sand.u32 $0x4000, s31;
	s1 =	sadd.s32 s1, s30  }
0xba: {  	s0 =	sor.u32 s3, s0;
	s1 =	sshll.u32 s1, $0x11  }
0xbb: {  	s0 =	sor.u32 s1, s0  }
0xbc: {  	s0 =	sadd.s32 $0x8F2B, s0  }
0xbd: {  	[sflag:s0] =	ssyncadd.remote.s32 $0x1  }
0xbe: {  	_ =	sfence.sel $0xFFFF  }
0xbf: {  	[dreg:$0x0] =	wrdreg $0xFFFFFFFF;
	(pc) =	sbr.abs _section_cstart, $3  }
0xc0: {  	[dreg:$0x1] =	wrdreg $0xFFFFFFFF  }
0xc1: {  	_ =	task.clear_ibuf [dreg:s6], $0x2FFFF;
	_ =	strace $0x9FFFFFFF  }
0xc2: {  	(tm) =	ssettm $0x7FFFFFFF  }
0xc3: {  	_ =	shalt  }
tec
execute0_lowered:
.L_overlay_start_1:
0x0: {  	(tag) =	ssettag $0x1  }
0x1: {  	s6 =	rddreg [dreg:$0x0]  }
0x2: {  	s0 =	srdreg.scid;
	s2 =	rddreg [dreg:$0x1]  }
0x3: {  	s3 =	simm.s32 $0x0;
	s15 =	simm.s32 $0x7800;
	s16 =	simm.s32 $0x2  }
0x4: {  	s17 =	simm.s32 $0x2800;
	s18 =	simm.s32 $0x5000;
	s5 =	sand.u32 $0x1, s0  }
0x5: {  	s19 =	simm.s32 $0x80;
	s0 =	stileid.u32;
	s8 =	smul.u32 $0x140000, s5  }
0x6: {  	s20 =	simm.s32 $0x1;
	[smem:$0x7FF] =	sst s3;
	s9 =	smul.u32 $0x14000, s0  }
0x7: {  	s4 =	sadd.s32 $0x20C00, s6;
	s1 =	sshll.u32 s5, $0x4;
	s10 =	smul.u32 $0x50000, s0  }
0x8: {  	s29 =	ssub.s32 $0x2, s5;
	s21 =	sshll.u32 s0, $0x6;
	s1 =	sor.u32 s0, s1  }
0x9: {  	s31 =	sshrl.u32 s29, $0x1;
	s21 =	sor.u32 $0x1C02, s21;
	s7 =	smul.u32 $0x500, s1  }
0xa: {  	s1 =	rddreg [dreg:$0x2];
	_ =	strace $0x8000004A;
	s30 =	sshrl.u32 s10, $0x2  }
0xb: {  	s28 =	sadd.s32 s9, s8;
	s14 =	ssub.s32 s29, s31;
	s5 =	sadd.s32 s30, s2  }
0xc: {  	s14 =	smax.u32 s14, $0x1;
	s12 =	sadd.s32 s7, s6;
	s7 =	sshrl.u32 s28, $0x3  }
0xd: {  	s8 =	sadd.s32 $0xC000, s5;
	s9 =	sadd.s32 $0x10000, s5;
	s13 =	sadd.s32 s7, s6  }
0xe: {  	s6 =	sadd.s32 $0x4000, s5;
	s7 =	sadd.s32 $0x8000, s5;
	s10 =	sadd.s32 $0xCC00, s12  }
0xf: {  	v0 =	vimm.f32 $0.0e+00;
	s11 =	sadd.s32 $0x2C00, s12;
	s12 =	sadd.s32 $0x16C00, s12;
	s13 =	sadd.s32 $0x47E00, s13  }
.LBB2_1:
0x10: {  	s22 =	simm.s32 $0x0;
	s23 =	simm.s32 $0x200  }
.LBB2_2:
0x11: {  	p0 =	sne.s32 s23, $0xFE00;
	[tilespmem:s22+$0x7870] =	vst v0  }
0x12: {  	[tilespmem:s22+$0x7800] =	vst v0  }
0x13: {  	[tilespmem:s22+$0x7810] =	vst v0  }
.Ltmp0:
0x14: {  	[tilespmem:s22+$0x7820] =	vst v0;
	(pc) =	sbr.rel @p0 .LBB2_2-.Ltmp0, $4  }
0x15: {  	[tilespmem:s22+$0x7830] =	vst v0  }
0x16: {  	[tilespmem:s22+$0x7840] =	vst v0  }
0x17: {  	[tilespmem:s22+$0x7850] =	vst v0  }
0x18: {  	[tilespmem:s22+$0x7860] =	vst v0;
	s22 =	sshra.s32 s23, $0x2;
	s23 =	sadd.s32 $0x200, s23  }
0x19: {  	[tilespmem:s22+$0x7870] =	vst v0  }
0x1a: {  	[tilespmem:s22+$0x7800] =	vst v0  }
0x1b: {  	[tilespmem:s22+$0x7810] =	vst v0  }
0x1c: {  	[tilespmem:s22+$0x7820] =	vst v0  }
0x1d: {  	[tilespmem:s22+$0x7830] =	vst v0  }
0x1e: {  	[tilespmem:s22+$0x7840] =	vst v0  }
0x1f: {  	[tilespmem:s22+$0x7850] =	vst v0  }
0x20: {  	[tilespmem:s22+$0x7860] =	vst v0  }
0x21: {  	[spmem:s5] =	stream.linear.scatter [tilespmem:s15], [sflag:$0x2], $0x4000, $0x38;
	[tilespmem:$0x1F800] =	vst v63  }
0x22: {  	_ =	swait.ge [sflag:s16], $0x4000  }
0x23: {  	[sflag:s16] =	ssyncset.done $0x0  }
0x24: {  	[sflag:s16] =	ssyncadd.s32 $0xFFFFC000  }
0x25: {  	[spmem:s6] =	stream.linear.scatter [tilespmem:s15], [sflag:$0x2], $0x4000, $0x38;
	[tilespmem:$0x1F800] =	vst v63  }
0x26: {  	_ =	swait.ge [sflag:s16], $0x4000  }
0x27: {  	[sflag:s16] =	ssyncset.done $0x0  }
0x28: {  	[sflag:s16] =	ssyncadd.s32 $0xFFFFC000  }
0x29: {  	[spmem:s7] =	stream.linear.scatter [tilespmem:s15], [sflag:$0x2], $0x4000, $0x38;
	[tilespmem:$0x1F800] =	vst v63  }
0x2a: {  	_ =	swait.ge [sflag:s16], $0x4000  }
0x2b: {  	[sflag:s16] =	ssyncset.done $0x0  }
0x2c: {  	[sflag:s16] =	ssyncadd.s32 $0xFFFFC000  }
0x2d: {  	[spmem:s8] =	stream.linear.scatter [tilespmem:s15], [sflag:$0x2], $0x4000, $0x38;
	[tilespmem:$0x1F800] =	vst v63  }
0x2e: {  	_ =	swait.ge [sflag:s16], $0x4000  }
0x2f: {  	[sflag:s16] =	ssyncset.done $0x0  }
0x30: {  	[sflag:s16] =	ssyncadd.s32 $0xFFFFC000  }
0x31: {  	[spmem:s9] =	stream.linear.scatter [tilespmem:s15], [sflag:$0x2], $0x4000, $0x38;
	[tilespmem:$0x1F800] =	vst v63  }
0x32: {  	_ =	swait.ge [sflag:s16], $0x4000  }
0x33: {  	[sflag:s16] =	ssyncset.done $0x0  }
0x34: {  	[sflag:s16] =	ssyncadd.s32 $0xFFFFC000  }
0x35: {  	s22 =	simm.s32 $0x0;
	[bflag:$0x0] =	sbarrier.arrive $0xFFFF  }
0x36: {  	[tilespmem:s22], [sflag:$0x2] =	stream.linear.gather [hbm4b:s10+s22], $0x2780, $0x38;
	[tilespmem:$0x1F800] =	vst v63  }
0x37: {  	_ =	swait.ge [sflag:s16], $0x2780  }
0x38: {  	[sflag:s16] =	ssyncset.done $0x0  }
0x39: {  	[sflag:s16] =	ssyncadd.s32 $0xFFFFD880  }
0x3a: {  	[tilespmem:s17], [sflag:$0x2] =	stream.linear.gather [hbm4b:s11+s22], $0x2780, $0x38;
	[tilespmem:$0x1F800] =	vst v63  }
0x3b: {  	_ =	swait.ge [sflag:s16], $0x2780  }
0x3c: {  	[sflag:s16] =	ssyncset.done $0x0  }
0x3d: {  	[sflag:s16] =	ssyncadd.s32 $0xFFFFD880  }
0x3e: {  	[tilespmem:s18], [sflag:$0x2] =	stream.linear.gather [hbm4b:s12+s22], $0x2780, $0x38;
	[tilespmem:$0x1F800] =	vst v63  }
0x3f: {  	_ =	swait.ge [sflag:s16], $0x2780  }
0x40: {  	[sflag:s16] =	ssyncset.done $0x0  }
0x41: {  	s23 =	simm.s32 $0x0;
	[sflag:s16] =	ssyncadd.s32 $0xFFFFD880  }
.LBB2_4:
0x42: {  	s24 =	sshll.u32 s23, $0x7  }
0x43: {  	[tilespmem:s15], [sflag:$0x1] =	stream.indirect.gather [hbm4b:s4+s19], $0x80, s24, s19, $0xb8;
	[tilespmem:$0x1F800] =	vst v63  }
0x44: {  	_ =	swait.ge [sflag:s20], $0x4000  }
0x45: {  	v1 =	vmov s22;
	[sflag:s20] =	ssyncset.done $0x0  }
0x46: {  	s25 =	simm.s32 $0x7840;
	[sflag:s20] =	ssyncadd.s32 $0xFFFFC000  }
0x47: {  	v5 =	vld [tilespmem:s25+$0x30]  }
0x48: {  	v8 =	vld [tilespmem:s25+$0x10]  }
0x49: {  	s26 =	sadd.s32 $0x5000, s24;
	v6 =	vld [tilespmem:s25+$0xFFFFFFC0]  }
0x4a: {  	v2 =	vld.idx.msk [tilespmem:v1+s26+$0x0], $0xffff  }
0x4b: {  	v10 =	vld [tilespmem:s25+$0xFFFFFFE0]  }
0x4c: {  	v1 =	vld [tilespmem:s25+$0xFFFFFFF0]  }
0x4d: {  	v3 =	vld [tilespmem:s25+$0x20]  }
0x4e: {  	v4 =	vld [tilespmem:s25+$0xFFFFFFD0]  }
0x4f: {  	v9 =	vmul.f32 v5, v2;
	v5 =	vld [tilespmem:s25+$0x0]  }
0x50: {  	v7 =	vmul.f32 v6, v2  }
0x51: {  	s28 =	simm.s32 $0x1;
	s29 =	simm.s32 $0x7840;
	v6 =	vmul.f32 v10, v2;
	v8 =	vmul.f32 v8, v2  }
.LBB2_5:
0x52: {  	p0 =	sne.s32 s28, $0x7F  }
0x53: {  	v4 =	vmul.f32 v4, v2;
	v3 =	vmul.f32 v3, v2;
	[tilespmem:s25+$0x30] =	vst v9;
	s29 =	sadd.s32 $0x80, s29;
	s30 =	smov.u32 s28;
	s28 =	sadd.s32 $0x1, s28  }
0x54: {  	[tilespmem:s25+$0xFFFFFFC0] =	vst v7;
	v7 =	vmul.f32 v1, v2;
	v2 =	vmul.f32 v5, v2  }
0x55: {  	[tilespmem:s25+$0x10] =	vst v8  }
0x56: {  	v5 =	vmov s30;
	[tilespmem:s25+$0xFFFFFFE0] =	vst v6  }
0x57: {  	v1 =	vld [tilespmem:s29+$0xFFFFFFF0];
	[tilespmem:s25+$0xFFFFFFF0] =	vst v7  }
0x58: {  	v6 =	vld [tilespmem:s29+$0x30];
	[tilespmem:s25+$0x0] =	vst v2  }
0x59: {  	v8 =	vld [tilespmem:s29+$0x10];
	[tilespmem:s25+$0x20] =	vst v3  }
0x5a: {  	v7 =	vld [tilespmem:s29+$0xFFFFFFC0];
	[tilespmem:s25+$0xFFFFFFD0] =	vst v4;
	s25 =	smov.u32 s29  }
0x5b: {  	v2 =	vld.idx.msk [tilespmem:v5+s26+$0x0], $0xffff  }
0x5c: {  	v10 =	vld [tilespmem:s29+$0xFFFFFFE0]  }
0x5d: {  	v3 =	vld [tilespmem:s29+$0x20]  }
.Ltmp1:
0x5e: {  	v4 =	vld [tilespmem:s29+$0xFFFFFFD0];
	(pc) =	sbr.rel @p0 .LBB2_5-.Ltmp1, $3  }
0x5f: {  	v5 =	vld [tilespmem:s29+$0x0];
	_ =	sdelay $0x1  }
0x60: {  	v7 =	vmul.f32 v7, v2;
	v9 =	vmul.f32 v6, v2  }
0x61: {  	v8 =	vmul.f32 v8, v2;
	v6 =	vmul.f32 v10, v2  }
0x62: {  	[tilespmem:s25+$0x30] =	vst v9  }
0x63: {  	[tilespmem:s25+$0xFFFFFFC0] =	vst v7  }
0x64: {  	v1 =	vmul.f32 v1, v2;
	[tilespmem:s25+$0x10] =	vst v8  }
0x65: {  	v3 =	vmul.f32 v3, v2;
	[tilespmem:s25+$0xFFFFFFE0] =	vst v6  }
0x66: {  	v5 =	vmul.f32 v5, v2;
	[tilespmem:s25+$0xFFFFFFF0] =	vst v1  }
0x67: {  	s23 =	sadd.s32 $0x1, s23;
	v1 =	vmul.f32 v4, v2;
	[tilespmem:s25+$0x20] =	vst v3  }
0x68: {  	p0 =	sne.s32 s23, $0x4F;
	[tilespmem:s25+$0x0] =	vst v5  }
.Ltmp2:
0x69: {  	s24 =	sadd.s32 $0x2800, s24;
	[tilespmem:s25+$0xFFFFFFD0] =	vst v1;
	(pc) =	sbr.rel @p0 .LBB2_4-.Ltmp2, $4  }
0x6a: {  	[spmem:s2] =	stream.indirect.scatter.add.f32 [tilespmem:s15], [sflag:$0x2], $0x80, s24, s19, $0xb8;
	[tilespmem:$0x1F800] =	vst v63  }
0x6b: {  	_ =	swait.ge [sflag:s16], $0x4000  }
0x6c: {  	[sflag:s16] =	ssyncset.done $0x0  }
0x6d: {  	[sflag:s16] =	ssyncadd.s32 $0xFFFFC000  }
0x6e: {  	s3 =	sadd.s32 $0x1, s3  }
0x6f: {  	p0 =	sne.s32 s3, s14  }
.Ltmp3:
0x70: {  	[bflag:$0x0] =	sbarrier.arrive $0xFFFF;
	s22 =	sshrl.u32 s5, $0x3;
	(pc) =	sbr.rel @p0 .LBB2_1-.Ltmp3, $4  }
0x71: {  	[hbm:s13], [sflag:s21] =	dma.local [spmem:s22], $0x2800  }
0x72: {  	_ =	swait.ge [sflag:s16], $0x2800  }
0x73: {  	[sflag:s16] =	ssyncset.done $0x0  }
0x74: {  	[sflag:s16] =	ssyncadd.s32 $0xFFFFD800  }
0x75: {  	_ =	sfence.sel $0x180000  }
0x76: {  	[bflag:$0x0] =	sbarrier.arrive $0xFFFF  }
0x77: {  	p0 =	sne.s32 s0, $0x0;
	_ =	strace $0x9000004A  }
0x78: {  	s0 =	sadd.s32 @!p0 $0x100000, s1;
	[bflag:$0x2] =	sbarrier.arrive $0xFFFF  }
0x79: {  	[sflag:s0] =	ssyncadd.tile.s32 @!p0 $0x1;
	_ =	shalt  }
.Lfunc_end2:
_tile_overlayer_lowered:
.L_overlay_start_2:
0x7a: {  	(tag) =	ssettag $0x2  }
0x7b: {  	s0 =	rddreg [dreg:$0x0];
	s2 =	stileid.u32  }
0x7c: {  	s1 =	rddreg [dreg:$0x1];
	p0 =	sne.s32 s2, $0x0  }
0x7d: {  	s3 =	rddreg [dreg:$0x2];
	[bflag:$0x3] =	sbarrier.arrive $0xFFFF;
	s2 =	simm.s32 @!p0 $0x1C02  }
0x7e: {  	[timem:s3], [sflag:s2] =	dma.local @!p0 [hbm:s0], s1  }
0x7f: {  	s0 =	simm.s32 @!p0 $0x2  }
0x80: {  	_ =	swait.ge @!p0 [sflag:s0], s1  }
0x81: {  	s1 =	ssub.s32 @!p0 $0x0, s1;
	[sflag:s0] =	ssyncset.done @!p0 $0x0  }
0x82: {  	[sflag:s0] =	ssyncadd.s32 @!p0 s1  }
0x83: {  	[bflag:$0x3] =	sbarrier.arrive $0xFFFF  }
0x84: {  	_ =	shalt  }

// kernel: kernel.7.cloned.1.call-start
scs
__scs_entry_jumppad:
0x0: {  	(pc) =	sbr.rel $0x88, $3  }
0x1: {  	(tag) =	ssettag $0x0;
	lr =	simm.s32 $0x1  }
0x2: {  	[smem:$0x3F90] =	sst lr;
	_ =	strace $0xD0000000  }
0x3: {  	_ = 	snop  }
0x4: {  	_ = 	snop  }
0x5: {  	_ = 	snop  }
0x6: {  	_ = 	snop  }
0x7: {  	_ = 	snop  }
__scs_overlays_trampoline_lowered:
0x8: {  	[smem:$0x3F9F] =	sst s0  }
0x9: {  	[smem:$0x3FA0] =	sst s1  }
0xa: {  	[smem:$0x3FA1] =	sst s2  }
0xb: {  	[smem:$0x3FA2] =	sst s3  }
0xc: {  	[smem:$0x3FA3] =	sst s4  }
0xd: {  	[smem:$0x3FA4] =	sst s5  }
0xe: {  	[smem:$0x3FA5] =	sst s6  }
0xf: {  	[smem:$0x3FA6] =	sst s7  }
0x10: {  	[smem:$0x3FA7] =	sst s8  }
0x11: {  	[smem:$0x3FA8] =	sst s9;
	s0 =	simm.s32 @!p0 $0x0  }
0x12: {  	s1 =	sld [smem:$0x3F8E];
	s0 =	simm.s32 @p0 $0x1  }
0x13: {  	[smem:$0x3FA9] =	sst s0;
	s0 =	simm.s32 @!p1 $0x0  }
0x14: {  	s2 =	sld [smem:$0x3F8D];
	s0 =	simm.s32 @p1 $0x1  }
0x15: {  	[smem:$0x3FAA] =	sst s0;
	s0 =	simm.s32 @!p2 $0x0  }
0x16: {  	s3 =	sld [smem:$0x3FDB];
	s0 =	simm.s32 @p2 $0x1  }
0x17: {  	s4 =	simm.s32 $0x1BF5;
	[smem:$0x3FAC] =	sst s0  }
0x18: {  	s0 =	sld [smem:$0x3F8F];
	_ =	swait.ge [sflag:s4], $0x0  }
0x19: {  	s7 =	sld [smem:$0x3F90]  }
0x1a: {  	s8 =	sadd.s32 $0xFFFFE003, lr  }
0x1b: {  	s9 =	sadd.s32 $0xFFFFFEF7, lr;
	s5 =	simm.s32 $0xFFFFFFFF;
	p2 =	slt.u32 s8, $0xFFFFF086  }
0x1c: {  	p1 =	slt.u32 s9, $0xF7A;
	s5 =	simm.s32 @!p2 $0x0  }
0x1d: {  	s5 =	simm.s32 @p1 $0x1;
	p0 =	seq.s32 s7, s2  }
0x1e: {  	s7 =	smul.u32 @!p0 $0xF7A, s2;
	p2 =	seq.s32 @!p0 s5, $0x0  }
0x1f: {  	s9 =	smul.u32 $0xF7A, s1;
	s8 =	simm.s32 @!p0 $0x1BF5;
	p2 =	por !p2, p0  }
0x20: {  	[sflag:s8] =	ssyncset.s32 @!p0 $0xFFFFF086;
	s6 =	sadd.s32 @!p0 s3, s7;
	s7 =	simm.s32 @!p0 $0x108  }
0x21: {  	s3 =	sadd.s32 s3, s9;
	s6 =	sadd.s32 @!p0 $0x88, s6;
	s7 =	simm.s32 @p2 $0x1082  }
0x22: {  	[simem:s7], [sflag:s8] =	dma.local @!p0 [hbm:s6], $0xF7A  }
0x23: {  	s9 =	sor.u32 $0xD0000000, s2;
	s6 =	simm.s32 $0x108;
	_ =	swait.ge @!p0 [sflag:s8], $0x0  }
0x24: {  	s3 =	sadd.s32 $0x88, s3;
	s6 =	simm.s32 @!p1 $0x1082;
	[sflag:s4] =	ssyncset.s32 $0xFFFFF086  }
0x25: {  	[simem:s6], [sflag:s4] =	dma.local [hbm:s3], $0xF7A  }
0x26: {  	[smem:$0x3F90] =	sst s1;
	(tag) =	ssettag s2;
	_ =	strace s9  }
0x27: {  	s1 =	sld [smem:$0x3FA0]  }
0x28: {  	s2 =	sld [smem:$0x3FA1]  }
0x29: {  	s4 =	sld [smem:$0x3FA3]  }
0x2a: {  	p0 =	seq.s32 s5, $0x0;
	s5 =	sld [smem:$0x3FA4]  }
0x2b: {  	s6 =	sld [smem:$0x3FA5]  }
0x2c: {  	s7 =	sld [smem:$0x3FA6]  }
0x2d: {  	s3 =	simm.s32 $0x108;
	s8 =	sld [smem:$0x3FA7]  }
0x2e: {  	s3 =	simm.s32 @!p0 $0x1082;
	s9 =	sld [smem:$0x3FA8]  }
0x2f: {  	lr =	sadd.s32 s0, s3;
	s0 =	sld [smem:$0x3F9F]  }
0x30: {  	s3 =	sld [smem:$0x3FA2]  }
0x31: {  	[smem:$0x3FAB] =	sst s10  }
0x32: {  	s10 =	sld [smem:$0x3FA9];
	_ =	sdelay $0x3  }
0x33: {  	p0 =	seq.s32 s10, $0x1;
	s10 =	sld [smem:$0x3FAB];
	_ =	sdelay $0x3  }
0x34: {  	[smem:$0x3FAB] =	sst s10  }
0x35: {  	s10 =	sld [smem:$0x3FAA];
	_ =	sdelay $0x3  }
0x36: {  	p1 =	seq.s32 s10, $0x1;
	s10 =	sld [smem:$0x3FAB];
	_ =	sdelay $0x3  }
0x37: {  	[smem:$0x3FAB] =	sst s10  }
0x38: {  	s10 =	sld [smem:$0x3FAC]  }
0x39: {  	_ = 	snop;
	(pc) =	sbr.ind lr, $3  }
0x3a: {  	_ = 	snop  }
0x3b: {  	_ = 	snop  }
0x3c: {  	p2 =	seq.s32 s10, $0x1;
	s10 =	sld [smem:$0x3FAB]  }
0x3d: {  	_ =	shalt  }
0x3e: {  	_ =	shalt  }
0x3f: {  	_ =	shalt  }
0x40: {  	_ =	shalt  }
0x41: {  	_ =	shalt  }
0x42: {  	_ =	shalt  }
0x43: {  	_ =	shalt  }
0x44: {  	_ =	shalt  }
0x45: {  	_ =	shalt  }
0x46: {  	_ =	shalt  }
0x47: {  	_ =	shalt  }
0x48: {  	_ =	shalt  }
0x49: {  	_ =	shalt  }
0x4a: {  	_ =	shalt  }
0x4b: {  	_ =	shalt  }
0x4c: {  	_ =	shalt  }
0x4d: {  	_ =	shalt  }
0x4e: {  	_ =	shalt  }
0x4f: {  	_ =	shalt  }
0x50: {  	_ =	shalt  }
0x51: {  	_ =	shalt  }
0x52: {  	_ =	shalt  }
0x53: {  	_ =	shalt  }
0x54: {  	_ =	shalt  }
0x55: {  	_ =	shalt  }
0x56: {  	_ =	shalt  }
0x57: {  	_ =	shalt  }
0x58: {  	_ =	shalt  }
0x59: {  	_ =	shalt  }
0x5a: {  	_ =	shalt  }
0x5b: {  	_ =	shalt  }
0x5c: {  	_ =	shalt  }
0x5d: {  	_ =	shalt  }
0x5e: {  	_ =	shalt  }
0x5f: {  	_ =	shalt  }
0x60: {  	_ =	shalt  }
0x61: {  	_ =	shalt  }
0x62: {  	_ =	shalt  }
0x63: {  	_ =	shalt  }
0x64: {  	_ =	shalt  }
0x65: {  	_ =	shalt  }
0x66: {  	_ =	shalt  }
0x67: {  	_ =	shalt  }
0x68: {  	_ =	shalt  }
0x69: {  	_ =	shalt  }
0x6a: {  	_ =	shalt  }
0x6b: {  	_ =	shalt  }
0x6c: {  	_ =	shalt  }
0x6d: {  	_ =	shalt  }
0x6e: {  	_ =	shalt  }
0x6f: {  	_ =	shalt  }
0x70: {  	_ =	shalt  }
0x71: {  	_ =	shalt  }
0x72: {  	_ =	shalt  }
0x73: {  	_ =	shalt  }
0x74: {  	_ =	shalt  }
0x75: {  	_ =	shalt  }
0x76: {  	_ =	shalt  }
0x77: {  	_ =	shalt  }
0x78: {  	_ =	shalt  }
0x79: {  	_ =	shalt  }
0x7a: {  	_ =	shalt  }
0x7b: {  	_ =	shalt  }
0x7c: {  	_ =	shalt  }
0x7d: {  	_ =	shalt  }
0x7e: {  	_ =	shalt  }
0x7f: {  	_ =	shalt  }
0x80: {  	_ =	shalt  }
0x81: {  	_ =	shalt  }
0x82: {  	_ =	shalt  }
0x83: {  	_ =	shalt  }
0x84: {  	_ =	shalt  }
0x85: {  	_ =	shalt  }
0x86: {  	_ =	shalt  }
0x87: {  	_ =	shalt  }
.Lfunc_end0:
.L_simem_size_0:
called_computation_lowered:
.L_overlay_start_0:
0x88: {  	s2 =	sld [smem:$0x3FD9]  }
0x89: {  	s3 =	sld [smem:$0x3FFE];
	_ =	sdelay $0x1  }
0x8a: {  	s1 =	srdreg.scid  }
0x8b: {  	s0 =	sand.u32 $0x1, s1  }
0x8c: {  	s16 =	sshll.u32 s0, $0xA;
	s2 =	sadd.s32 s3, s2  }
0x8d: {  	s2 =	sadd.s32 s2, s16  }
0x8e: {  	[smem:$0x3FB7] =	sst s2  }
0x8f: {  	_ = 	snop  }
0x90: {  	(tm) =	ssettm $0x1  }
0x91: {  	s17 =	sld [smem:$0x3FFB];
	_ =	sdelay $0x3  }
0x92: {  	_ =	strace s17  }
0x93: {  	s2 =	sld [smem:$0x3FFC];
	_ =	sdelay $0x3  }
0x94: {  	_ =	strace s2  }
0x95: {  	s2 =	sld [smem:$0x3FFD];
	_ =	sdelay $0x3  }
0x96: {  	_ =	strace s2  }
0x97: {  	_ =	strace $0x8FFFFFFF  }
0x98: {  	s18 =	sld [smem:$0x3FDB];
	_ =	sdelay $0x1  }
0x99: {  	s19 =	simm.s32 $_scs_section_size  }
0x9a: {  	s4 =	simm.s32 $_size__tile_overlayer_lowered;
	s5 =	simm.s32 $_tile_overlayer_lowered  }
0x9b: {  	s22 =	simm.s32 $0x1BFF;
	s21 =	sshll.u32 s5, $0x1;
	s2 =	sadd.s32 s19, s18  }
0x9c: {  	s6 =	simm.s32 $0x0;
	s20 =	sshll.u32 s4, $0x1;
	s4 =	sadd.s32 s21, s2  }
0x9d: {  	[timem:s6], [sflag:s22] =	dma.local [hbm:s4], s20  }
0x9e: {  	_ =	swait.ge [sflag:s22], s20  }
0x9f: {  	s3 =	ssub.s32 $0x0, s20;
	[sflag:s22] =	ssyncset.done $0x0  }
0xa0: {  	[sflag:s22] =	ssyncadd.s32 s3;
	_ =	sdelay $0x1  }
0xa1: {  	s23 =	simm.s32 $0x1B8B  }
0xa2: {  	_ =	swait.ge [sflag:s23], $0x1  }
0xa3: {  	[sflag:s23] =	ssyncset.done $0x0  }
0xa4: {  	s25 =	simm.s32 $0x1B8E;
	s24 =	sld [smem:$0x3FFE];
	[sflag:s23] =	ssyncadd.s32 $0xFFFFFFFF  }
0xa5: {  	s26 =	simm.s32 $execute0_lowered;
	[smem:$0x3FD2] =	sst s25  }
0xa6: {  	s4 =	sshll.u32 s26, $0x1;
	_ =	strace $0x80000046;
	[dreg:$0x1] =	wrdreg $0xFFFFFFFF  }
0xa7: {  	s28 =	simm.s32 $_size_execute0_lowered;
	s2 =	sadd.s32 s2, s4;
	[dreg:$0x0] =	wrdreg $0x0  }
0xa8: {  	s4 =	sshll.u32 s28, $0x1;
	[dreg:$0x2] =	wrdreg s2  }
0xa9: {  	[dreg:$0x3] =	wrdreg s4  }
0xaa: {  	[dreg:$0x4] =	wrdreg $0xC0  }
0xab: {  	_ =	task [dreg:s6], $0x5FFFF  }
0xac: {  	[dreg:$0x1] =	wrdreg $0xFFFFFFFF  }
0xad: {  	[dreg:$0x0] =	wrdreg $0x60  }
0xae: {  	[dreg:$0x2] =	wrdreg s24  }
0xaf: {  	[dreg:$0x3] =	wrdreg $0xB8000  }
0xb0: {  	[dreg:$0x4] =	wrdreg $0x9  }
0xb1: {  	_ =	task.clear_ibuf [dreg:s6], $0x5FFFF;
	_ =	strace $0x90000046  }
0xb2: {  	s29 =	simm.s32 $0x9;
	_ =	strace $0x80000048  }
0xb3: {  	_ =	swait.ge [sflag:s29], $0x1  }
0xb4: {  	[sflag:s29] =	ssyncadd.s32 $0xFFFFFFFF  }
0xb5: {  	_ =	strace $0x90000048  }
0xb6: {  	_ =	sfence  }
0xb7: {  	s30 =	sld [smem:$0x0];
	_ =	sdelay $0x2  }
0xb8: {  	s31 =	sshll.u32 s1, $0xD;
	s1 =	sshrl.u32 s1, $0x2  }
0xb9: {  	s3 =	sand.u32 $0x4000, s31;
	s1 =	sadd.s32 s1, s30  }
0xba: {  	s0 =	sor.u32 s3, s0;
	s1 =	sshll.u32 s1, $0x11  }
0xbb: {  	s0 =	sor.u32 s1, s0  }
0xbc: {  	s0 =	sadd.s32 $0x8F2B, s0  }
0xbd: {  	[sflag:s0] =	ssyncadd.remote.s32 $0x1  }
0xbe: {  	_ =	sfence.sel $0xFFFF  }
0xbf: {  	[dreg:$0x0] =	wrdreg $0xFFFFFFFF;
	(pc) =	sbr.abs _section_cstart, $3  }
0xc0: {  	[dreg:$0x1] =	wrdreg $0xFFFFFFFF  }
0xc1: {  	_ =	task.clear_ibuf [dreg:s6], $0x2FFFF;
	_ =	strace $0x9FFFFFFF  }
0xc2: {  	(tm) =	ssettm $0x7FFFFFFF  }
0xc3: {  	_ =	shalt  }
tec
execute0_lowered:
.L_overlay_start_1:
0x0: {  	(tag) =	ssettag $0x1  }
0x1: {  	s6 =	rddreg [dreg:$0x0]  }
0x2: {  	s0 =	srdreg.scid;
	s2 =	rddreg [dreg:$0x1]  }
0x3: {  	s3 =	simm.s32 $0x0;
	s15 =	simm.s32 $0x7800;
	s16 =	simm.s32 $0x2  }
0x4: {  	s17 =	simm.s32 $0x2800;
	s18 =	simm.s32 $0x5000;
	s5 =	sand.u32 $0x1, s0  }
0x5: {  	s19 =	simm.s32 $0x80;
	s0 =	stileid.u32;
	s8 =	smul.u32 $0x140000, s5  }
0x6: {  	s20 =	simm.s32 $0x1;
	[smem:$0x7FF] =	sst s3;
	s9 =	smul.u32 $0x14000, s0  }
0x7: {  	s4 =	sadd.s32 $0x20C00, s6;
	s1 =	sshll.u32 s5, $0x4;
	s10 =	smul.u32 $0x50000, s0  }
0x8: {  	s29 =	ssub.s32 $0x2, s5;
	s21 =	sshll.u32 s0, $0x6;
	s1 =	sor.u32 s0, s1  }
0x9: {  	s31 =	sshrl.u32 s29, $0x1;
	s21 =	sor.u32 $0x1C02, s21;
	s7 =	smul.u32 $0x500, s1  }
0xa: {  	s1 =	rddreg [dreg:$0x2];
	_ =	strace $0x80000047;
	s30 =	sshrl.u32 s10, $0x2  }
0xb: {  	s28 =	sadd.s32 s9, s8;
	s14 =	ssub.s32 s29, s31;
	s5 =	sadd.s32 s30, s2  }
0xc: {  	s14 =	smax.u32 s14, $0x1;
	s12 =	sadd.s32 s7, s6;
	s7 =	sshrl.u32 s28, $0x3  }
0xd: {  	s8 =	sadd.s32 $0xC000, s5;
	s9 =	sadd.s32 $0x10000, s5;
	s13 =	sadd.s32 s7, s6  }
0xe: {  	s6 =	sadd.s32 $0x4000, s5;
	s7 =	sadd.s32 $0x8000, s5;
	s10 =	sadd.s32 $0xCC00, s12  }
0xf: {  	v0 =	vimm.f32 $0.0e+00;
	s11 =	sadd.s32 $0x2C00, s12;
	s12 =	sadd.s32 $0x16C00, s12;
	s13 =	sadd.s32 $0x47E00, s13  }
.LBB2_1:
0x10: {  	s22 =	simm.s32 $0x0;
	s23 =	simm.s32 $0x200  }
.LBB2_2:
0x11: {  	p0 =	sne.s32 s23, $0xFE00;
	[tilespmem:s22+$0x7870] =	vst v0  }
0x12: {  	[tilespmem:s22+$0x7800] =	vst v0  }
0x13: {  	[tilespmem:s22+$0x7810] =	vst v0  }
.Ltmp0:
0x14: {  	[tilespmem:s22+$0x7820] =	vst v0;
	(pc) =	sbr.rel @p0 .LBB2_2-.Ltmp0, $4  }
0x15: {  	[tilespmem:s22+$0x7830] =	vst v0  }
0x16: {  	[tilespmem:s22+$0x7840] =	vst v0  }
0x17: {  	[tilespmem:s22+$0x7850] =	vst v0  }
0x18: {  	[tilespmem:s22+$0x7860] =	vst v0;
	s22 =	sshra.s32 s23, $0x2;
	s23 =	sadd.s32 $0x200, s23  }
0x19: {  	[tilespmem:s22+$0x7870] =	vst v0  }
0x1a: {  	[tilespmem:s22+$0x7800] =	vst v0  }
0x1b: {  	[tilespmem:s22+$0x7810] =	vst v0  }
0x1c: {  	[tilespmem:s22+$0x7820] =	vst v0  }
0x1d: {  	[tilespmem:s22+$0x7830] =	vst v0  }
0x1e: {  	[tilespmem:s22+$0x7840] =	vst v0  }
0x1f: {  	[tilespmem:s22+$0x7850] =	vst v0  }
0x20: {  	[tilespmem:s22+$0x7860] =	vst v0  }
0x21: {  	[spmem:s5] =	stream.linear.scatter [tilespmem:s15], [sflag:$0x2], $0x4000, $0x38;
	[tilespmem:$0x1F800] =	vst v63  }
0x22: {  	_ =	swait.ge [sflag:s16], $0x4000  }
0x23: {  	[sflag:s16] =	ssyncset.done $0x0  }
0x24: {  	[sflag:s16] =	ssyncadd.s32 $0xFFFFC000  }
0x25: {  	[spmem:s6] =	stream.linear.scatter [tilespmem:s15], [sflag:$0x2], $0x4000, $0x38;
	[tilespmem:$0x1F800] =	vst v63  }
0x26: {  	_ =	swait.ge [sflag:s16], $0x4000  }
0x27: {  	[sflag:s16] =	ssyncset.done $0x0  }
0x28: {  	[sflag:s16] =	ssyncadd.s32 $0xFFFFC000  }
0x29: {  	[spmem:s7] =	stream.linear.scatter [tilespmem:s15], [sflag:$0x2], $0x4000, $0x38;
	[tilespmem:$0x1F800] =	vst v63  }
0x2a: {  	_ =	swait.ge [sflag:s16], $0x4000  }
0x2b: {  	[sflag:s16] =	ssyncset.done $0x0  }
0x2c: {  	[sflag:s16] =	ssyncadd.s32 $0xFFFFC000  }
0x2d: {  	[spmem:s8] =	stream.linear.scatter [tilespmem:s15], [sflag:$0x2], $0x4000, $0x38;
	[tilespmem:$0x1F800] =	vst v63  }
0x2e: {  	_ =	swait.ge [sflag:s16], $0x4000  }
0x2f: {  	[sflag:s16] =	ssyncset.done $0x0  }
0x30: {  	[sflag:s16] =	ssyncadd.s32 $0xFFFFC000  }
0x31: {  	[spmem:s9] =	stream.linear.scatter [tilespmem:s15], [sflag:$0x2], $0x4000, $0x38;
	[tilespmem:$0x1F800] =	vst v63  }
0x32: {  	_ =	swait.ge [sflag:s16], $0x4000  }
0x33: {  	[sflag:s16] =	ssyncset.done $0x0  }
0x34: {  	[sflag:s16] =	ssyncadd.s32 $0xFFFFC000  }
0x35: {  	s22 =	simm.s32 $0x0;
	[bflag:$0x0] =	sbarrier.arrive $0xFFFF  }
0x36: {  	[tilespmem:s22], [sflag:$0x2] =	stream.linear.gather [hbm4b:s10+s22], $0x2780, $0x38;
	[tilespmem:$0x1F800] =	vst v63  }
0x37: {  	_ =	swait.ge [sflag:s16], $0x2780  }
0x38: {  	[sflag:s16] =	ssyncset.done $0x0  }
0x39: {  	[sflag:s16] =	ssyncadd.s32 $0xFFFFD880  }
0x3a: {  	[tilespmem:s17], [sflag:$0x2] =	stream.linear.gather [hbm4b:s11+s22], $0x2780, $0x38;
	[tilespmem:$0x1F800] =	vst v63  }
0x3b: {  	_ =	swait.ge [sflag:s16], $0x2780  }
0x3c: {  	[sflag:s16] =	ssyncset.done $0x0  }
0x3d: {  	[sflag:s16] =	ssyncadd.s32 $0xFFFFD880  }
0x3e: {  	[tilespmem:s18], [sflag:$0x2] =	stream.linear.gather [hbm4b:s12+s22], $0x2780, $0x38;
	[tilespmem:$0x1F800] =	vst v63  }
0x3f: {  	_ =	swait.ge [sflag:s16], $0x2780  }
0x40: {  	[sflag:s16] =	ssyncset.done $0x0  }
0x41: {  	s23 =	simm.s32 $0x0;
	[sflag:s16] =	ssyncadd.s32 $0xFFFFD880  }
.LBB2_4:
0x42: {  	s24 =	sshll.u32 s23, $0x7  }
0x43: {  	[tilespmem:s15], [sflag:$0x1] =	stream.indirect.gather [hbm4b:s4+s19], $0x80, s24, s19, $0xb8;
	[tilespmem:$0x1F800] =	vst v63  }
0x44: {  	_ =	swait.ge [sflag:s20], $0x4000  }
0x45: {  	v1 =	vmov s22;
	[sflag:s20] =	ssyncset.done $0x0  }
0x46: {  	s25 =	simm.s32 $0x7840;
	[sflag:s20] =	ssyncadd.s32 $0xFFFFC000  }
0x47: {  	v5 =	vld [tilespmem:s25+$0x30]  }
0x48: {  	v8 =	vld [tilespmem:s25+$0x10]  }
0x49: {  	s26 =	sadd.s32 $0x5000, s24;
	v6 =	vld [tilespmem:s25+$0xFFFFFFC0]  }
0x4a: {  	v2 =	vld.idx.msk [tilespmem:v1+s26+$0x0], $0xffff  }
0x4b: {  	v10 =	vld [tilespmem:s25+$0xFFFFFFE0]  }
0x4c: {  	v1 =	vld [tilespmem:s25+$0xFFFFFFF0]  }
0x4d: {  	v3 =	vld [tilespmem:s25+$0x20]  }
0x4e: {  	v4 =	vld [tilespmem:s25+$0xFFFFFFD0]  }
0x4f: {  	v9 =	vmul.f32 v5, v2;
	v5 =	vld [tilespmem:s25+$0x0]  }
0x50: {  	v7 =	vmul.f32 v6, v2  }
0x51: {  	s28 =	simm.s32 $0x1;
	s29 =	simm.s32 $0x7840;
	v6 =	vmul.f32 v10, v2;
	v8 =	vmul.f32 v8, v2  }
.LBB2_5:
0x52: {  	p0 =	sne.s32 s28, $0x7F  }
0x53: {  	v4 =	vmul.f32 v4, v2;
	v3 =	vmul.f32 v3, v2;
	[tilespmem:s25+$0x30] =	vst v9;
	s29 =	sadd.s32 $0x80, s29;
	s30 =	smov.u32 s28;
	s28 =	sadd.s32 $0x1, s28  }
0x54: {  	[tilespmem:s25+$0xFFFFFFC0] =	vst v7;
	v7 =	vmul.f32 v1, v2;
	v2 =	vmul.f32 v5, v2  }
0x55: {  	[tilespmem:s25+$0x10] =	vst v8  }
0x56: {  	v5 =	vmov s30;
	[tilespmem:s25+$0xFFFFFFE0] =	vst v6  }
0x57: {  	v1 =	vld [tilespmem:s29+$0xFFFFFFF0];
	[tilespmem:s25+$0xFFFFFFF0] =	vst v7  }
0x58: {  	v6 =	vld [tilespmem:s29+$0x30];
	[tilespmem:s25+$0x0] =	vst v2  }
0x59: {  	v8 =	vld [tilespmem:s29+$0x10];
	[tilespmem:s25+$0x20] =	vst v3  }
0x5a: {  	v7 =	vld [tilespmem:s29+$0xFFFFFFC0];
	[tilespmem:s25+$0xFFFFFFD0] =	vst v4;
	s25 =	smov.u32 s29  }
0x5b: {  	v2 =	vld.idx.msk [tilespmem:v5+s26+$0x0], $0xffff  }
0x5c: {  	v10 =	vld [tilespmem:s29+$0xFFFFFFE0]  }
0x5d: {  	v3 =	vld [tilespmem:s29+$0x20]  }
.Ltmp1:
0x5e: {  	v4 =	vld [tilespmem:s29+$0xFFFFFFD0];
	(pc) =	sbr.rel @p0 .LBB2_5-.Ltmp1, $3  }
0x5f: {  	v5 =	vld [tilespmem:s29+$0x0];
	_ =	sdelay $0x1  }
0x60: {  	v7 =	vmul.f32 v7, v2;
	v9 =	vmul.f32 v6, v2  }
0x61: {  	v8 =	vmul.f32 v8, v2;
	v6 =	vmul.f32 v10, v2  }
0x62: {  	[tilespmem:s25+$0x30] =	vst v9  }
0x63: {  	[tilespmem:s25+$0xFFFFFFC0] =	vst v7  }
0x64: {  	v1 =	vmul.f32 v1, v2;
	[tilespmem:s25+$0x10] =	vst v8  }
0x65: {  	v3 =	vmul.f32 v3, v2;
	[tilespmem:s25+$0xFFFFFFE0] =	vst v6  }
0x66: {  	v5 =	vmul.f32 v5, v2;
	[tilespmem:s25+$0xFFFFFFF0] =	vst v1  }
0x67: {  	s23 =	sadd.s32 $0x1, s23;
	v1 =	vmul.f32 v4, v2;
	[tilespmem:s25+$0x20] =	vst v3  }
0x68: {  	p0 =	sne.s32 s23, $0x4F;
	[tilespmem:s25+$0x0] =	vst v5  }
.Ltmp2:
0x69: {  	s24 =	sadd.s32 $0x2800, s24;
	[tilespmem:s25+$0xFFFFFFD0] =	vst v1;
	(pc) =	sbr.rel @p0 .LBB2_4-.Ltmp2, $4  }
0x6a: {  	[spmem:s2] =	stream.indirect.scatter.add.f32 [tilespmem:s15], [sflag:$0x2], $0x80, s24, s19, $0xb8;
	[tilespmem:$0x1F800] =	vst v63  }
0x6b: {  	_ =	swait.ge [sflag:s16], $0x4000  }
0x6c: {  	[sflag:s16] =	ssyncset.done $0x0  }
0x6d: {  	[sflag:s16] =	ssyncadd.s32 $0xFFFFC000  }
0x6e: {  	s3 =	sadd.s32 $0x1, s3  }
0x6f: {  	p0 =	sne.s32 s3, s14  }
.Ltmp3:
0x70: {  	[bflag:$0x0] =	sbarrier.arrive $0xFFFF;
	s22 =	sshrl.u32 s5, $0x3;
	(pc) =	sbr.rel @p0 .LBB2_1-.Ltmp3, $4  }
0x71: {  	[hbm:s13], [sflag:s21] =	dma.local [spmem:s22], $0x2800  }
0x72: {  	_ =	swait.ge [sflag:s16], $0x2800  }
0x73: {  	[sflag:s16] =	ssyncset.done $0x0  }
0x74: {  	[sflag:s16] =	ssyncadd.s32 $0xFFFFD800  }
0x75: {  	_ =	sfence.sel $0x180000  }
0x76: {  	[bflag:$0x0] =	sbarrier.arrive $0xFFFF  }
0x77: {  	p0 =	sne.s32 s0, $0x0;
	_ =	strace $0x90000047  }
0x78: {  	s0 =	sadd.s32 @!p0 $0x100000, s1;
	[bflag:$0x2] =	sbarrier.arrive $0xFFFF  }
0x79: {  	[sflag:s0] =	ssyncadd.tile.s32 @!p0 $0x1;
	_ =	shalt  }
.Lfunc_end2:
_tile_overlayer_lowered:
.L_overlay_start_2:
0x7a: {  	(tag) =	ssettag $0x2  }
0x7b: {  	s0 =	rddreg [dreg:$0x0];
	s2 =	stileid.u32  }
0x7c: {  	s1 =	rddreg [dreg:$0x1];
	p0 =	sne.s32 s2, $0x0  }
0x7d: {  	s3 =	rddreg [dreg:$0x2];
	[bflag:$0x3] =	sbarrier.arrive $0xFFFF;
	s2 =	simm.s32 @!p0 $0x1C02  }
0x7e: {  	[timem:s3], [sflag:s2] =	dma.local @!p0 [hbm:s0], s1  }
0x7f: {  	s0 =	simm.s32 @!p0 $0x2  }
0x80: {  	_ =	swait.ge @!p0 [sflag:s0], s1  }
0x81: {  	s1 =	ssub.s32 @!p0 $0x0, s1;
	[sflag:s0] =	ssyncset.done @!p0 $0x0  }
0x82: {  	[sflag:s0] =	ssyncadd.s32 @!p0 s1  }
0x83: {  	[bflag:$0x3] =	sbarrier.arrive $0xFFFF  }
0x84: {  	_ =	shalt  }

</sc_bundles>
